<compile_context>
chip_gen: v7x
topology: tpu7x:2x2x1
jax: 0.10.2.dev20260603
libtpu: 0.0.44.dev20260713+nightly
codegen_flags: <defaults>
</compile_context>

<pallas_src>
import functools

import jax
import jax.numpy as jnp
from jax import lax
from jax.experimental import pallas as pl
from jax.experimental.pallas import tpu as pltpu
from jax.experimental.pallas import tpu_sc as plsc

N = 10000
E = 160000
NF = 256
FH = 128
NSUB = 16
EPS = E // NSUB
CHUNK = 80
NCHUNKS = EPS // CHUNK
ZR = 624
ZREM = N - ZR * NSUB
ZB = 156

_MXBLK = 1000


def _mm1_body(x_ref, w1_ref, o_ref):
    o_ref[0] = jnp.dot(x_ref[...], w1_ref[...],
                       preferred_element_type=jnp.float32)


def _mm2_body(c3_ref, w2_ref, b_ref, o_ref):
    a = jnp.dot(c3_ref[0], w2_ref[pl.ds(0, FH), :],
                preferred_element_type=jnp.float32)
    a += jnp.dot(c3_ref[1], w2_ref[pl.ds(FH, FH), :],
                 preferred_element_type=jnp.float32)
    a += b_ref[...]
    o_ref[...] = jax.nn.softplus(a)


def _sc_edge_body(f2, w, seg, idx2, conv2, acc, idx_v, seg_v, fj_v, wf_v,
                  isem, gsem, wsem, ssem):
    c = lax.axis_index("c")
    s = lax.axis_index("s")

    zvec = jnp.zeros((16,), jnp.float32)

    def zfill(r, carry):
        for j in range(FH // 16):
            fj_v[0, r, pl.ds(j * 16, 16)] = zvec
        return carry

    lax.fori_loop(0, CHUNK, zfill, 0)
    for t in range(ZR // CHUNK):
        pltpu.sync_copy(fj_v.at[0], acc.at[pl.ds(s * ZR + t * CHUNK, CHUNK)])
    zrem = ZR - (ZR // CHUNK) * CHUNK
    pltpu.sync_copy(fj_v.at[0, pl.ds(0, zrem), :],
                    acc.at[pl.ds(s * ZR + (ZR // CHUNK) * CHUNK, zrem)])

    @pl.when(s == 0)
    def _zero_tail():
        pltpu.sync_copy(fj_v.at[0, pl.ds(0, ZREM), :],
                        acc.at[pl.ds(ZR * NSUB, ZREM)])

    plsc.subcore_barrier()

    def a_desc(k):
        ib = k % 4
        base = s * EPS + k * CHUNK
        return (
            pltpu.make_async_copy(idx2.at[pl.ds(c * E + base, CHUNK)],
                                  idx_v.at[ib], isem.at[ib]),
            pltpu.make_async_copy(seg.at[pl.ds(base, CHUNK)],
                                  seg_v.at[ib], isem.at[ib]),
        )

    def issue_a(k):
        for d in a_desc(k):
            d.start()

    def wait_a(k):
        for d in a_desc(k):
            d.wait()

    def b_desc(k):
        b = k % 2
        ib = k % 4
        base = s * EPS + k * CHUNK
        return (
            pltpu.make_async_copy(f2.at[idx_v.at[ib]], fj_v.at[b],
                                  gsem.at[b]),
            pltpu.make_async_copy(w.at[pl.ds(base, CHUNK),
                                       pl.ds(c * FH, FH)],
                                  wf_v.at[b], wsem.at[b]),
        )

    def issue_b(k):
        for d in b_desc(k):
            d.start()

    def wait_b(k):
        for d in b_desc(k):
            d.wait()

    def issue_d(k):
        b = k % 2
        ib = k % 4
        pltpu.async_copy(wf_v.at[b], acc.at[seg_v.at[ib]], ssem.at[b],
                         add=True)

    def wait_d(k):
        b = k % 2
        ib = k % 4
        pltpu.make_async_copy(wf_v.at[b], acc.at[seg_v.at[ib]],
                              ssem.at[b]).wait()

    issue_a(0)
    issue_a(1)
    wait_a(0)
    issue_b(0)

    def chunk_body(k, carry):
        b = k % 2
        wait_b(k)

        @pl.when(k + 2 < NCHUNKS)
        def _prefetch_a():
            issue_a(k + 2)

        @pl.when(k >= 1)
        def _drain_d():
            wait_d(k - 1)

        @pl.when(k + 1 < NCHUNKS)
        def _prefetch_b():
            wait_a(k + 1)
            issue_b(k + 1)

        def mul_body(e, mcarry):
            for j in range(FH // 16):
                sl = pl.ds(j * 16, 16)
                wf_v[b, e, sl] = wf_v[b, e, sl] * fj_v[b, e, sl]
            return mcarry

        lax.fori_loop(0, CHUNK, mul_body, 0)
        issue_d(k)
        return carry

    lax.fori_loop(0, NCHUNKS, chunk_body, 0)
    wait_d(NCHUNKS - 1)
    plsc.subcore_barrier()
    pltpu.sync_copy(acc.at[pl.ds(s * ZR, ZR)],
                    conv2.at[pl.ds(c * N + s * ZR, ZR)])

    @pl.when(s == 0)
    def _copy_tail():
        pltpu.sync_copy(acc.at[pl.ds(ZR * NSUB, ZREM)],
                        conv2.at[pl.ds(c * N + ZR * NSUB, ZREM)])


_sc_edge = pl.kernel(
    _sc_edge_body,
    out_type=jax.ShapeDtypeStruct((2 * N, FH), jnp.float32),
    name="sc_edge_cfconv",
    mesh=plsc.VectorSubcoreMesh(core_axis_name="c", subcore_axis_name="s",
                                num_cores=2, num_subcores=NSUB),
    scratch_types=[
        pltpu.VMEM_SHARED((N, FH), jnp.float32),
        pltpu.VMEM((4, CHUNK), jnp.int32),
        pltpu.VMEM((4, CHUNK), jnp.int32),
        pltpu.VMEM((2, CHUNK, FH), jnp.float32),
        pltpu.VMEM((2, CHUNK, FH), jnp.float32),
        pltpu.SemaphoreType.DMA((4,)),
        pltpu.SemaphoreType.DMA((2,)),
        pltpu.SemaphoreType.DMA((2,)),
        pltpu.SemaphoreType.DMA((2,)),
    ],
)

_mm1 = pl.pallas_call(
    _mm1_body,
    grid=(2, N // _MXBLK),
    in_specs=[
        pl.BlockSpec((_MXBLK, NF), lambda h, i: (i, 0)),
        pl.BlockSpec((NF, FH), lambda h, i: (0, h)),
    ],
    out_specs=pl.BlockSpec((1, _MXBLK, FH), lambda h, i: (h, i, 0)),
    out_shape=jax.ShapeDtypeStruct((2, N, FH), jnp.float32),
)

_mm2 = pl.pallas_call(
    _mm2_body,
    grid=(N // _MXBLK,),
    in_specs=[
        pl.BlockSpec((2, _MXBLK, FH), lambda i: (0, i, 0)),
        pl.BlockSpec((NF, NF), lambda i: (0, 0)),
        pl.BlockSpec((1, NF), lambda i: (0, 0)),
    ],
    out_specs=pl.BlockSpec((_MXBLK, NF), lambda i: (i, 0)),
    out_shape=jax.ShapeDtypeStruct((N, NF), jnp.float32),
)


def kernel(x, w, seg_i, idx_j, W_in2fac, W_fac2out, b_fac2out):
    f3 = _mm1(x, W_in2fac)
    f2 = f3.reshape(2 * N, FH)
    idx2 = jnp.concatenate([idx_j, idx_j + N])
    conv2 = _sc_edge(f2, w, seg_i, idx2)
    c3 = conv2.reshape(2, N, FH)
    return _mm2(c3, W_fac2out, b_fac2out.reshape(1, NF))

# --- scband reference (transcript-rebuilt; emitter-appended) ---
"""Pipeline reference for scband-cfconv-45037027066137 (READ-ONLY COPY).

The authoritative reference and input builder live on the scoring server;
editing this copy changes nothing except your own understanding.
"""

import jax, jax.numpy as jnp
import numpy as np

N_NODES = 10000
N_EDGES = 160000
FAN_IN = 256
N_FILTERS = 256
FAN_OUT = 256


def setup_inputs(seed: int = 0) -> dict:
    key = jax.random.key(seed)
    ks = jax.random.split(key, 7)
    x = jax.random.normal(ks[0], (N_NODES, FAN_IN), dtype=jnp.float32)
    w = jax.random.normal(ks[1], (N_EDGES, N_FILTERS), dtype=jnp.float32)
    seg_i = jnp.sort(jax.random.randint(ks[2], (N_EDGES,), 0, N_NODES, dtype=jnp.int32))
    idx_j = jax.random.randint(ks[3], (N_EDGES,), 0, N_NODES, dtype=jnp.int32)
    # learned parameters
    W_in2fac = jax.random.normal(ks[4], (FAN_IN, N_FILTERS), dtype=jnp.float32) * (1.0 / np.sqrt(FAN_IN))
    W_fac2out = jax.random.normal(ks[5], (N_FILTERS, FAN_OUT), dtype=jnp.float32) * (1.0 / np.sqrt(N_FILTERS))
    b_fac2out = jnp.zeros((FAN_OUT,), dtype=jnp.float32)
    return {"x": x, "w": w, "seg_i": seg_i, "idx_j": idx_j,
            "W_in2fac": W_in2fac, "W_fac2out": W_fac2out, "b_fac2out": b_fac2out}


def reference(x, w, seg_i, idx_j, W_in2fac, W_fac2out, b_fac2out):
    # in2fac: Dense(n_filters, use_bias=False)
    f = x @ W_in2fac                          # (N, n_filters)
    # gather features of neighbor atoms j for each interaction
    f_j = jnp.take(f, idx_j, axis=0)          # (E, n_filters)
    # continuous-filter modulation
    wf = w * f_j                              # (E, n_filters)
    # PoolSegments: segment-sum over interactions into atom i segments
    conv = jax.ops.segment_sum(wf, seg_i, num_segments=x.shape[0])  # (N, n_filters)
    # fac2out: Dense(fan_out, use_bias=True, activation=softplus)
    y = jax.nn.softplus(conv @ W_fac2out + b_fac2out)  # (N, fan_out)
    return y

if __name__ == "__main__":
    import jax
    _d = setup_inputs()
    print(jax.jit(kernel)(*tuple(_d.values())))

</pallas_src>

<mosaic_0001>
#map = affine_map<(d0, d1) -> (0, 0)>
#map1 = affine_map<(d0, d1) -> (0)>
module attributes {stable_mosaic.version = 14 : i64} {
  func.func @sc_edge_cfconv(%arg0: i32, %arg1: i32, %arg2: memref<20000x128xf32, #tpu.memory_space<hbm>>, %arg3: memref<160000x256xf32, #tpu.memory_space<hbm>>, %arg4: memref<160000xi32, #tpu.memory_space<hbm>>, %arg5: memref<320000xi32, #tpu.memory_space<hbm>>, %arg6: memref<20000x128xf32, #tpu.memory_space<hbm>>, %arg7: memref<10000x128xf32, #tpu.memory_space<vmem_shared>>, %arg8: memref<4x80xi32, #tpu.memory_space<vmem>>, %arg9: memref<4x80xi32, #tpu.memory_space<vmem>>, %arg10: memref<2x80x128xf32, #tpu.memory_space<vmem>>, %arg11: memref<2x80x128xf32, #tpu.memory_space<vmem>>, %arg12: memref<4x!tpu.dma_semaphore, #tpu.memory_space<semaphore_mem>>, %arg13: memref<2x!tpu.dma_semaphore, #tpu.memory_space<semaphore_mem>>, %arg14: memref<2x!tpu.dma_semaphore, #tpu.memory_space<semaphore_mem>>, %arg15: memref<2x!tpu.dma_semaphore, #tpu.memory_space<semaphore_mem>>) attributes {dimension_semantics = [#tpu.dimension_semantics<core_parallel>, #tpu.dimension_semantics<subcore_parallel>], iteration_bounds = array<i64: 2, 16>, scalar_prefetch = 0 : i64, scratch_operands = 9 : i64, tpu.core_type = #tpu.core_type<sc_vector_subcore>, window_params = [{transform_indices = #map}, {transform_indices = #map}, {transform_indices = #map1}, {transform_indices = #map1}, {transform_indices = #map}]} {
    %broadcast_in_dim3A = arith.constant 0.000000e+00 : f32
    %broadcast_in_dim3A_0 = vector.broadcast %broadcast_in_dim3A : f32 to vector<16xf32>
    %scan3A = arith.constant 0 : i32
    %scan3A_1 = arith.constant 0 : i32
    %scan3A_2 = arith.constant 80 : i32
    %scan3A_3 = arith.addi %scan3A_1, %scan3A_2 : i32
    %scan3A_4 = arith.constant 1 : i32
    scf.for %scan3A_205 = %scan3A_1 to %scan3A_3 step %scan3A_4  : i32 {
      %swap3A = arith.constant 0 : i32
      %swap3A_206 = arith.index_cast %swap3A : i32 to index
      %swap3A_207 = arith.index_cast %scan3A_205 : i32 to index
      %swap3A_208 = arith.constant 0 : index
      %swap3A_209 = tpu.vector_load %arg10[%swap3A_206, %swap3A_207, %swap3A_208] {strides = array<i32>} : memref<2x80x128xf32, #tpu.memory_space<vmem>>, vector<1x1x16xf32>,
      %swap3A_210 = vector.shape_cast %swap3A_209 : vector<1x1x16xf32> to vector<16xf32>
      %swap3A_211 = vector.shape_cast %broadcast_in_dim3A_0 : vector<16xf32> to vector<1x1x16xf32>
      tpu.vector_store %arg10[%swap3A_206, %swap3A_207, %swap3A_208], %swap3A_211 {strides = array<i32>} : memref<2x80x128xf32, #tpu.memory_space<vmem>>, vector<1x1x16xf32>,
      %swap3A_212 = arith.constant 0 : i32
      %swap3A_213 = arith.index_cast %swap3A_212 : i32 to index
      %swap3A_214 = arith.index_cast %scan3A_205 : i32 to index
      %swap3A_215 = arith.constant 16 : index
      %swap3A_216 = tpu.vector_load %arg10[%swap3A_213, %swap3A_214, %swap3A_215] {strides = array<i32>} : memref<2x80x128xf32, #tpu.memory_space<vmem>>, vector<1x1x16xf32>,
      %swap3A_217 = vector.shape_cast %swap3A_216 : vector<1x1x16xf32> to vector<16xf32>
      %swap3A_218 = vector.shape_cast %broadcast_in_dim3A_0 : vector<16xf32> to vector<1x1x16xf32>
      tpu.vector_store %arg10[%swap3A_213, %swap3A_214, %swap3A_215], %swap3A_218 {strides = array<i32>} : memref<2x80x128xf32, #tpu.memory_space<vmem>>, vector<1x1x16xf32>,
      %swap3A_219 = arith.constant 0 : i32
      %swap3A_220 = arith.index_cast %swap3A_219 : i32 to index
      %swap3A_221 = arith.index_cast %scan3A_205 : i32 to index
      %swap3A_222 = arith.constant 32 : index
      %swap3A_223 = tpu.vector_load %arg10[%swap3A_220, %swap3A_221, %swap3A_222] {strides = array<i32>} : memref<2x80x128xf32, #tpu.memory_space<vmem>>, vector<1x1x16xf32>,
      %swap3A_224 = vector.shape_cast %swap3A_223 : vector<1x1x16xf32> to vector<16xf32>
      %swap3A_225 = vector.shape_cast %broadcast_in_dim3A_0 : vector<16xf32> to vector<1x1x16xf32>
      tpu.vector_store %arg10[%swap3A_220, %swap3A_221, %swap3A_222], %swap3A_225 {strides = array<i32>} : memref<2x80x128xf32, #tpu.memory_space<vmem>>, vector<1x1x16xf32>,
      %swap3A_226 = arith.constant 0 : i32
      %swap3A_227 = arith.index_cast %swap3A_226 : i32 to index
      %swap3A_228 = arith.index_cast %scan3A_205 : i32 to index
      %swap3A_229 = arith.constant 48 : index
      %swap3A_230 = tpu.vector_load %arg10[%swap3A_227, %swap3A_228, %swap3A_229] {strides = array<i32>} : memref<2x80x128xf32, #tpu.memory_space<vmem>>, vector<1x1x16xf32>,
      %swap3A_231 = vector.shape_cast %swap3A_230 : vector<1x1x16xf32> to vector<16xf32>
      %swap3A_232 = vector.shape_cast %broadcast_in_dim3A_0 : vector<16xf32> to vector<1x1x16xf32>
      tpu.vector_store %arg10[%swap3A_227, %swap3A_228, %swap3A_229], %swap3A_232 {strides = array<i32>} : memref<2x80x128xf32, #tpu.memory_space<vmem>>, vector<1x1x16xf32>,
      %swap3A_233 = arith.constant 0 : i32
      %swap3A_234 = arith.index_cast %swap3A_233 : i32 to index
      %swap3A_235 = arith.index_cast %scan3A_205 : i32 to index
      %swap3A_236 = arith.constant 64 : index
      %swap3A_237 = tpu.vector_load %arg10[%swap3A_234, %swap3A_235, %swap3A_236] {strides = array<i32>} : memref<2x80x128xf32, #tpu.memory_space<vmem>>, vector<1x1x16xf32>,
      %swap3A_238 = vector.shape_cast %swap3A_237 : vector<1x1x16xf32> to vector<16xf32>
      %swap3A_239 = vector.shape_cast %broadcast_in_dim3A_0 : vector<16xf32> to vector<1x1x16xf32>
      tpu.vector_store %arg10[%swap3A_234, %swap3A_235, %swap3A_236], %swap3A_239 {strides = array<i32>} : memref<2x80x128xf32, #tpu.memory_space<vmem>>, vector<1x1x16xf32>,
      %swap3A_240 = arith.constant 0 : i32
      %swap3A_241 = arith.index_cast %swap3A_240 : i32 to index
      %swap3A_242 = arith.index_cast %scan3A_205 : i32 to index
      %swap3A_243 = arith.constant 80 : index
      %swap3A_244 = tpu.vector_load %arg10[%swap3A_241, %swap3A_242, %swap3A_243] {strides = array<i32>} : memref<2x80x128xf32, #tpu.memory_space<vmem>>, vector<1x1x16xf32>,
      %swap3A_245 = vector.shape_cast %swap3A_244 : vector<1x1x16xf32> to vector<16xf32>
      %swap3A_246 = vector.shape_cast %broadcast_in_dim3A_0 : vector<16xf32> to vector<1x1x16xf32>
      tpu.vector_store %arg10[%swap3A_241, %swap3A_242, %swap3A_243], %swap3A_246 {strides = array<i32>} : memref<2x80x128xf32, #tpu.memory_space<vmem>>, vector<1x1x16xf32>,
      %swap3A_247 = arith.constant 0 : i32
      %swap3A_248 = arith.index_cast %swap3A_247 : i32 to index
      %swap3A_249 = arith.index_cast %scan3A_205 : i32 to index
      %swap3A_250 = arith.constant 96 : index
      %swap3A_251 = tpu.vector_load %arg10[%swap3A_248, %swap3A_249, %swap3A_250] {strides = array<i32>} : memref<2x80x128xf32, #tpu.memory_space<vmem>>, vector<1x1x16xf32>,
      %swap3A_252 = vector.shape_cast %swap3A_251 : vector<1x1x16xf32> to vector<16xf32>
      %swap3A_253 = vector.shape_cast %broadcast_in_dim3A_0 : vector<16xf32> to vector<1x1x16xf32>
      tpu.vector_store %arg10[%swap3A_248, %swap3A_249, %swap3A_250], %swap3A_253 {strides = array<i32>} : memref<2x80x128xf32, #tpu.memory_space<vmem>>, vector<1x1x16xf32>,
      %swap3A_254 = arith.constant 0 : i32
      %swap3A_255 = arith.index_cast %swap3A_254 : i32 to index
      %swap3A_256 = arith.index_cast %scan3A_205 : i32 to index
      %swap3A_257 = arith.constant 112 : index
      %swap3A_258 = tpu.vector_load %arg10[%swap3A_255, %swap3A_256, %swap3A_257] {strides = array<i32>} : memref<2x80x128xf32, #tpu.memory_space<vmem>>, vector<1x1x16xf32>,
      %swap3A_259 = vector.shape_cast %swap3A_258 : vector<1x1x16xf32> to vector<16xf32>
      %swap3A_260 = vector.shape_cast %broadcast_in_dim3A_0 : vector<16xf32> to vector<1x1x16xf32>
      tpu.vector_store %arg10[%swap3A_255, %swap3A_256, %swap3A_257], %swap3A_260 {strides = array<i32>} : memref<2x80x128xf32, #tpu.memory_space<vmem>>, vector<1x1x16xf32>,
    }
    %scan3A_5 = arith.constant 80 : i32
    %mul3A = arith.constant 624 : i32
    %mul3A_6 = arith.muli %arg1, %mul3A : i32
    %add3A = arith.constant 0 : i32
    %add3A_7 = arith.addi %mul3A_6, %add3A : i32
    %run_scoped3A = arith.constant 0 : i32
    "tpu.region"() ({
      %run_scoped3A_205 = tpu.sem_alloc : memref<!tpu.dma_semaphore, #tpu.memory_space<semaphore_mem>>
      %dma_start3A_206 = arith.constant 0 : i32
      %dma_start3A_207 = arith.constant 0 : i32
      %dma_start3A_208 = tpu.memref_slice %arg10[%run_scoped3A, %dma_start3A_206, %dma_start3A_207] : memref<2x80x128xf32, #tpu.memory_space<vmem>> -> memref<1x80x128xf32, #tpu.memory_space<vmem>>
      %dma_start3A_209 = tpu.memref_squeeze %dma_start3A_208 : memref<1x80x128xf32, #tpu.memory_space<vmem>> -> memref<80x128xf32, #tpu.memory_space<vmem>>
      %dma_start3A_210 = arith.constant 0 : i32
      %dma_start3A_211 = tpu.memref_slice %arg7[%add3A_7, %dma_start3A_210] : memref<10000x128xf32, #tpu.memory_space<vmem_shared>> -> memref<80x128xf32, #tpu.memory_space<vmem_shared>>
      %dma_start3A_212 = arith.constant 0 : i32
      %dma_start3A_213 = tpu.memref_slice %arg7[%add3A_7, %dma_start3A_212] : memref<10000x128xf32, #tpu.memory_space<vmem_shared>> -> memref<80x128xf32, #tpu.memory_space<vmem_shared>>
      %dma_start3A_214 = arith.constant 0 : i32
      %dma_start3A_215 = arith.constant 0 : i32
      %dma_start3A_216 = tpu.memref_slice %arg10[%run_scoped3A, %dma_start3A_214, %dma_start3A_215] : memref<2x80x128xf32, #tpu.memory_space<vmem>> -> memref<1x80x128xf32, #tpu.memory_space<vmem>>
      %dma_start3A_217 = tpu.memref_squeeze %dma_start3A_216 : memref<1x80x128xf32, #tpu.memory_space<vmem>> -> memref<80x128xf32, #tpu.memory_space<vmem>>
      tpu.enqueue_dma source(%dma_start3A_217 : memref<80x128xf32, #tpu.memory_space<vmem>>) target(%dma_start3A_213 : memref<80x128xf32, #tpu.memory_space<vmem_shared>>) target_semaphore(%run_scoped3A_205 : memref<!tpu.dma_semaphore, #tpu.memory_space<semaphore_mem>>)
      %dma_wait3A_218 = arith.constant 0 : i32
      %dma_wait3A_219 = arith.constant 0 : i32
      %dma_wait3A_220 = tpu.memref_slice %arg10[%run_scoped3A, %dma_wait3A_218, %dma_wait3A_219] : memref<2x80x128xf32, #tpu.memory_space<vmem>> -> memref<1x80x128xf32, #tpu.memory_space<vmem>>
      %dma_wait3A_221 = tpu.memref_squeeze %dma_wait3A_220 : memref<1x80x128xf32, #tpu.memory_space<vmem>> -> memref<80x128xf32, #tpu.memory_space<vmem>>
      %dma_wait3A_222 = arith.constant 0 : i32
      %dma_wait3A_223 = tpu.memref_slice %arg7[%add3A_7, %dma_wait3A_222] : memref<10000x128xf32, #tpu.memory_space<vmem_shared>> -> memref<80x128xf32, #tpu.memory_space<vmem_shared>>
      %dma_wait3A_224 = arith.constant 0 : i32
      %dma_wait3A_225 = tpu.memref_slice %arg7[%add3A_7, %dma_wait3A_224] : memref<10000x128xf32, #tpu.memory_space<vmem_shared>> -> memref<80x128xf32, #tpu.memory_space<vmem_shared>>
      %dma_wait3A_226 = arith.constant 0 : i32
      %dma_wait3A_227 = arith.constant 0 : i32
      %dma_wait3A_228 = tpu.memref_slice %arg10[%run_scoped3A, %dma_wait3A_226, %dma_wait3A_227] : memref<2x80x128xf32, #tpu.memory_space<vmem>> -> memref<1x80x128xf32, #tpu.memory_space<vmem>>
      %dma_wait3A_229 = tpu.memref_squeeze %dma_wait3A_228 : memref<1x80x128xf32, #tpu.memory_space<vmem>> -> memref<80x128xf32, #tpu.memory_space<vmem>>
      tpu.wait_dma2 semaphore(%run_scoped3A_205 : memref<!tpu.dma_semaphore, #tpu.memory_space<semaphore_mem>>) src(%dma_wait3A_229 : memref<80x128xf32, #tpu.memory_space<vmem>>) dst(%dma_wait3A_225 : memref<80x128xf32, #tpu.memory_space<vmem_shared>>)
      tpu.yield
    }) : () -> ()
    %mul3A_8 = arith.constant 624 : i32
    %mul3A_9 = arith.muli %arg1, %mul3A_8 : i32
    %add3A_10 = arith.constant 80 : i32
    %add3A_11 = arith.addi %mul3A_9, %add3A_10 : i32
    %run_scoped3A_12 = arith.constant 0 : i32
    "tpu.region"() ({
      %run_scoped3A_205 = tpu.sem_alloc : memref<!tpu.dma_semaphore, #tpu.memory_space<semaphore_mem>>
      %dma_start3A_206 = arith.constant 0 : i32
      %dma_start3A_207 = arith.constant 0 : i32
      %dma_start3A_208 = tpu.memref_slice %arg10[%run_scoped3A_12, %dma_start3A_206, %dma_start3A_207] : memref<2x80x128xf32, #tpu.memory_space<vmem>> -> memref<1x80x128xf32, #tpu.memory_space<vmem>>
      %dma_start3A_209 = tpu.memref_squeeze %dma_start3A_208 : memref<1x80x128xf32, #tpu.memory_space<vmem>> -> memref<80x128xf32, #tpu.memory_space<vmem>>
      %dma_start3A_210 = arith.constant 0 : i32
      %dma_start3A_211 = tpu.memref_slice %arg7[%add3A_11, %dma_start3A_210] : memref<10000x128xf32, #tpu.memory_space<vmem_shared>> -> memref<80x128xf32, #tpu.memory_space<vmem_shared>>
      %dma_start3A_212 = arith.constant 0 : i32
      %dma_start3A_213 = tpu.memref_slice %arg7[%add3A_11, %dma_start3A_212] : memref<10000x128xf32, #tpu.memory_space<vmem_shared>> -> memref<80x128xf32, #tpu.memory_space<vmem_shared>>
      %dma_start3A_214 = arith.constant 0 : i32
      %dma_start3A_215 = arith.constant 0 : i32
      %dma_start3A_216 = tpu.memref_slice %arg10[%run_scoped3A_12, %dma_start3A_214, %dma_start3A_215] : memref<2x80x128xf32, #tpu.memory_space<vmem>> -> memref<1x80x128xf32, #tpu.memory_space<vmem>>
      %dma_start3A_217 = tpu.memref_squeeze %dma_start3A_216 : memref<1x80x128xf32, #tpu.memory_space<vmem>> -> memref<80x128xf32, #tpu.memory_space<vmem>>
      tpu.enqueue_dma source(%dma_start3A_217 : memref<80x128xf32, #tpu.memory_space<vmem>>) target(%dma_start3A_213 : memref<80x128xf32, #tpu.memory_space<vmem_shared>>) target_semaphore(%run_scoped3A_205 : memref<!tpu.dma_semaphore, #tpu.memory_space<semaphore_mem>>)
      %dma_wait3A_218 = arith.constant 0 : i32
      %dma_wait3A_219 = arith.constant 0 : i32
      %dma_wait3A_220 = tpu.memref_slice %arg10[%run_scoped3A_12, %dma_wait3A_218, %dma_wait3A_219] : memref<2x80x128xf32, #tpu.memory_space<vmem>> -> memref<1x80x128xf32, #tpu.memory_space<vmem>>
      %dma_wait3A_221 = tpu.memref_squeeze %dma_wait3A_220 : memref<1x80x128xf32, #tpu.memory_space<vmem>> -> memref<80x128xf32, #tpu.memory_space<vmem>>
      %dma_wait3A_222 = arith.constant 0 : i32
      %dma_wait3A_223 = tpu.memref_slice %arg7[%add3A_11, %dma_wait3A_222] : memref<10000x128xf32, #tpu.memory_space<vmem_shared>> -> memref<80x128xf32, #tpu.memory_space<vmem_shared>>
      %dma_wait3A_224 = arith.constant 0 : i32
      %dma_wait3A_225 = tpu.memref_slice %arg7[%add3A_11, %dma_wait3A_224] : memref<10000x128xf32, #tpu.memory_space<vmem_shared>> -> memref<80x128xf32, #tpu.memory_space<vmem_shared>>
      %dma_wait3A_226 = arith.constant 0 : i32
      %dma_wait3A_227 = arith.constant 0 : i32
      %dma_wait3A_228 = tpu.memref_slice %arg10[%run_scoped3A_12, %dma_wait3A_226, %dma_wait3A_227] : memref<2x80x128xf32, #tpu.memory_space<vmem>> -> memref<1x80x128xf32, #tpu.memory_space<vmem>>
      %dma_wait3A_229 = tpu.memref_squeeze %dma_wait3A_228 : memref<1x80x128xf32, #tpu.memory_space<vmem>> -> memref<80x128xf32, #tpu.memory_space<vmem>>
      tpu.wait_dma2 semaphore(%run_scoped3A_205 : memref<!tpu.dma_semaphore, #tpu.memory_space<semaphore_mem>>) src(%dma_wait3A_229 : memref<80x128xf32, #tpu.memory_space<vmem>>) dst(%dma_wait3A_225 : memref<80x128xf32, #tpu.memory_space<vmem_shared>>)
      tpu.yield
    }) : () -> ()
    %mul3A_13 = arith.constant 624 : i32
    %mul3A_14 = arith.muli %arg1, %mul3A_13 : i32
    %add3A_15 = arith.constant 160 : i32
    %add3A_16 = arith.addi %mul3A_14, %add3A_15 : i32
    %run_scoped3A_17 = arith.constant 0 : i32
    "tpu.region"() ({
      %run_scoped3A_205 = tpu.sem_alloc : memref<!tpu.dma_semaphore, #tpu.memory_space<semaphore_mem>>
      %dma_start3A_206 = arith.constant 0 : i32
      %dma_start3A_207 = arith.constant 0 : i32
      %dma_start3A_208 = tpu.memref_slice %arg10[%run_scoped3A_17, %dma_start3A_206, %dma_start3A_207] : memref<2x80x128xf32, #tpu.memory_space<vmem>> -> memref<1x80x128xf32, #tpu.memory_space<vmem>>
      %dma_start3A_209 = tpu.memref_squeeze %dma_start3A_208 : memref<1x80x128xf32, #tpu.memory_space<vmem>> -> memref<80x128xf32, #tpu.memory_space<vmem>>
      %dma_start3A_210 = arith.constant 0 : i32
      %dma_start3A_211 = tpu.memref_slice %arg7[%add3A_16, %dma_start3A_210] : memref<10000x128xf32, #tpu.memory_space<vmem_shared>> -> memref<80x128xf32, #tpu.memory_space<vmem_shared>>
      %dma_start3A_212 = arith.constant 0 : i32
      %dma_start3A_213 = tpu.memref_slice %arg7[%add3A_16, %dma_start3A_212] : memref<10000x128xf32, #tpu.memory_space<vmem_shared>> -> memref<80x128xf32, #tpu.memory_space<vmem_shared>>
      %dma_start3A_214 = arith.constant 0 : i32
      %dma_start3A_215 = arith.constant 0 : i32
      %dma_start3A_216 = tpu.memref_slice %arg10[%run_scoped3A_17, %dma_start3A_214, %dma_start3A_215] : memref<2x80x128xf32, #tpu.memory_space<vmem>> -> memref<1x80x128xf32, #tpu.memory_space<vmem>>
      %dma_start3A_217 = tpu.memref_squeeze %dma_start3A_216 : memref<1x80x128xf32, #tpu.memory_space<vmem>> -> memref<80x128xf32, #tpu.memory_space<vmem>>
      tpu.enqueue_dma source(%dma_start3A_217 : memref<80x128xf32, #tpu.memory_space<vmem>>) target(%dma_start3A_213 : memref<80x128xf32, #tpu.memory_space<vmem_shared>>) target_semaphore(%run_scoped3A_205 : memref<!tpu.dma_semaphore, #tpu.memory_space<semaphore_mem>>)
      %dma_wait3A_218 = arith.constant 0 : i32
      %dma_wait3A_219 = arith.constant 0 : i32
      %dma_wait3A_220 = tpu.memref_slice %arg10[%run_scoped3A_17, %dma_wait3A_218, %dma_wait3A_219] : memref<2x80x128xf32, #tpu.memory_space<vmem>> -> memref<1x80x128xf32, #tpu.memory_space<vmem>>
      %dma_wait3A_221 = tpu.memref_squeeze %dma_wait3A_220 : memref<1x80x128xf32, #tpu.memory_space<vmem>> -> memref<80x128xf32, #tpu.memory_space<vmem>>
      %dma_wait3A_222 = arith.constant 0 : i32
      %dma_wait3A_223 = tpu.memref_slice %arg7[%add3A_16, %dma_wait3A_222] : memref<10000x128xf32, #tpu.memory_space<vmem_shared>> -> memref<80x128xf32, #tpu.memory_space<vmem_shared>>
      %dma_wait3A_224 = arith.constant 0 : i32
      %dma_wait3A_225 = tpu.memref_slice %arg7[%add3A_16, %dma_wait3A_224] : memref<10000x128xf32, #tpu.memory_space<vmem_shared>> -> memref<80x128xf32, #tpu.memory_space<vmem_shared>>
      %dma_wait3A_226 = arith.constant 0 : i32
      %dma_wait3A_227 = arith.constant 0 : i32
      %dma_wait3A_228 = tpu.memref_slice %arg10[%run_scoped3A_17, %dma_wait3A_226, %dma_wait3A_227] : memref<2x80x128xf32, #tpu.memory_space<vmem>> -> memref<1x80x128xf32, #tpu.memory_space<vmem>>
      %dma_wait3A_229 = tpu.memref_squeeze %dma_wait3A_228 : memref<1x80x128xf32, #tpu.memory_space<vmem>> -> memref<80x128xf32, #tpu.memory_space<vmem>>
      tpu.wait_dma2 semaphore(%run_scoped3A_205 : memref<!tpu.dma_semaphore, #tpu.memory_space<semaphore_mem>>) src(%dma_wait3A_229 : memref<80x128xf32, #tpu.memory_space<vmem>>) dst(%dma_wait3A_225 : memref<80x128xf32, #tpu.memory_space<vmem_shared>>)
      tpu.yield
    }) : () -> ()
    %mul3A_18 = arith.constant 624 : i32
    %mul3A_19 = arith.muli %arg1, %mul3A_18 : i32
    %add3A_20 = arith.constant 240 : i32
    %add3A_21 = arith.addi %mul3A_19, %add3A_20 : i32
    %run_scoped3A_22 = arith.constant 0 : i32
    "tpu.region"() ({
      %run_scoped3A_205 = tpu.sem_alloc : memref<!tpu.dma_semaphore, #tpu.memory_space<semaphore_mem>>
      %dma_start3A_206 = arith.constant 0 : i32
      %dma_start3A_207 = arith.constant 0 : i32
      %dma_start3A_208 = tpu.memref_slice %arg10[%run_scoped3A_22, %dma_start3A_206, %dma_start3A_207] : memref<2x80x128xf32, #tpu.memory_space<vmem>> -> memref<1x80x128xf32, #tpu.memory_space<vmem>>
      %dma_start3A_209 = tpu.memref_squeeze %dma_start3A_208 : memref<1x80x128xf32, #tpu.memory_space<vmem>> -> memref<80x128xf32, #tpu.memory_space<vmem>>
      %dma_start3A_210 = arith.constant 0 : i32
      %dma_start3A_211 = tpu.memref_slice %arg7[%add3A_21, %dma_start3A_210] : memref<10000x128xf32, #tpu.memory_space<vmem_shared>> -> memref<80x128xf32, #tpu.memory_space<vmem_shared>>
      %dma_start3A_212 = arith.constant 0 : i32
      %dma_start3A_213 = tpu.memref_slice %arg7[%add3A_21, %dma_start3A_212] : memref<10000x128xf32, #tpu.memory_space<vmem_shared>> -> memref<80x128xf32, #tpu.memory_space<vmem_shared>>
      %dma_start3A_214 = arith.constant 0 : i32
      %dma_start3A_215 = arith.constant 0 : i32
      %dma_start3A_216 = tpu.memref_slice %arg10[%run_scoped3A_22, %dma_start3A_214, %dma_start3A_215] : memref<2x80x128xf32, #tpu.memory_space<vmem>> -> memref<1x80x128xf32, #tpu.memory_space<vmem>>
      %dma_start3A_217 = tpu.memref_squeeze %dma_start3A_216 : memref<1x80x128xf32, #tpu.memory_space<vmem>> -> memref<80x128xf32, #tpu.memory_space<vmem>>
      tpu.enqueue_dma source(%dma_start3A_217 : memref<80x128xf32, #tpu.memory_space<vmem>>) target(%dma_start3A_213 : memref<80x128xf32, #tpu.memory_space<vmem_shared>>) target_semaphore(%run_scoped3A_205 : memref<!tpu.dma_semaphore, #tpu.memory_space<semaphore_mem>>)
      %dma_wait3A_218 = arith.constant 0 : i32
      %dma_wait3A_219 = arith.constant 0 : i32
      %dma_wait3A_220 = tpu.memref_slice %arg10[%run_scoped3A_22, %dma_wait3A_218, %dma_wait3A_219] : memref<2x80x128xf32, #tpu.memory_space<vmem>> -> memref<1x80x128xf32, #tpu.memory_space<vmem>>
      %dma_wait3A_221 = tpu.memref_squeeze %dma_wait3A_220 : memref<1x80x128xf32, #tpu.memory_space<vmem>> -> memref<80x128xf32, #tpu.memory_space<vmem>>
      %dma_wait3A_222 = arith.constant 0 : i32
      %dma_wait3A_223 = tpu.memref_slice %arg7[%add3A_21, %dma_wait3A_222] : memref<10000x128xf32, #tpu.memory_space<vmem_shared>> -> memref<80x128xf32, #tpu.memory_space<vmem_shared>>
      %dma_wait3A_224 = arith.constant 0 : i32
      %dma_wait3A_225 = tpu.memref_slice %arg7[%add3A_21, %dma_wait3A_224] : memref<10000x128xf32, #tpu.memory_space<vmem_shared>> -> memref<80x128xf32, #tpu.memory_space<vmem_shared>>
      %dma_wait3A_226 = arith.constant 0 : i32
      %dma_wait3A_227 = arith.constant 0 : i32
      %dma_wait3A_228 = tpu.memref_slice %arg10[%run_scoped3A_22, %dma_wait3A_226, %dma_wait3A_227] : memref<2x80x128xf32, #tpu.memory_space<vmem>> -> memref<1x80x128xf32, #tpu.memory_space<vmem>>
      %dma_wait3A_229 = tpu.memref_squeeze %dma_wait3A_228 : memref<1x80x128xf32, #tpu.memory_space<vmem>> -> memref<80x128xf32, #tpu.memory_space<vmem>>
      tpu.wait_dma2 semaphore(%run_scoped3A_205 : memref<!tpu.dma_semaphore, #tpu.memory_space<semaphore_mem>>) src(%dma_wait3A_229 : memref<80x128xf32, #tpu.memory_space<vmem>>) dst(%dma_wait3A_225 : memref<80x128xf32, #tpu.memory_space<vmem_shared>>)
      tpu.yield
    }) : () -> ()
    %mul3A_23 = arith.constant 624 : i32
    %mul3A_24 = arith.muli %arg1, %mul3A_23 : i32
    %add3A_25 = arith.constant 320 : i32
    %add3A_26 = arith.addi %mul3A_24, %add3A_25 : i32
    %run_scoped3A_27 = arith.constant 0 : i32
    "tpu.region"() ({
      %run_scoped3A_205 = tpu.sem_alloc : memref<!tpu.dma_semaphore, #tpu.memory_space<semaphore_mem>>
      %dma_start3A_206 = arith.constant 0 : i32
      %dma_start3A_207 = arith.constant 0 : i32
      %dma_start3A_208 = tpu.memref_slice %arg10[%run_scoped3A_27, %dma_start3A_206, %dma_start3A_207] : memref<2x80x128xf32, #tpu.memory_space<vmem>> -> memref<1x80x128xf32, #tpu.memory_space<vmem>>
      %dma_start3A_209 = tpu.memref_squeeze %dma_start3A_208 : memref<1x80x128xf32, #tpu.memory_space<vmem>> -> memref<80x128xf32, #tpu.memory_space<vmem>>
      %dma_start3A_210 = arith.constant 0 : i32
      %dma_start3A_211 = tpu.memref_slice %arg7[%add3A_26, %dma_start3A_210] : memref<10000x128xf32, #tpu.memory_space<vmem_shared>> -> memref<80x128xf32, #tpu.memory_space<vmem_shared>>
      %dma_start3A_212 = arith.constant 0 : i32
      %dma_start3A_213 = tpu.memref_slice %arg7[%add3A_26, %dma_start3A_212] : memref<10000x128xf32, #tpu.memory_space<vmem_shared>> -> memref<80x128xf32, #tpu.memory_space<vmem_shared>>
      %dma_start3A_214 = arith.constant 0 : i32
      %dma_start3A_215 = arith.constant 0 : i32
      %dma_start3A_216 = tpu.memref_slice %arg10[%run_scoped3A_27, %dma_start3A_214, %dma_start3A_215] : memref<2x80x128xf32, #tpu.memory_space<vmem>> -> memref<1x80x128xf32, #tpu.memory_space<vmem>>
      %dma_start3A_217 = tpu.memref_squeeze %dma_start3A_216 : memref<1x80x128xf32, #tpu.memory_space<vmem>> -> memref<80x128xf32, #tpu.memory_space<vmem>>
      tpu.enqueue_dma source(%dma_start3A_217 : memref<80x128xf32, #tpu.memory_space<vmem>>) target(%dma_start3A_213 : memref<80x128xf32, #tpu.memory_space<vmem_shared>>) target_semaphore(%run_scoped3A_205 : memref<!tpu.dma_semaphore, #tpu.memory_space<semaphore_mem>>)
      %dma_wait3A_218 = arith.constant 0 : i32
      %dma_wait3A_219 = arith.constant 0 : i32
      %dma_wait3A_220 = tpu.memref_slice %arg10[%run_scoped3A_27, %dma_wait3A_218, %dma_wait3A_219] : memref<2x80x128xf32, #tpu.memory_space<vmem>> -> memref<1x80x128xf32, #tpu.memory_space<vmem>>
      %dma_wait3A_221 = tpu.memref_squeeze %dma_wait3A_220 : memref<1x80x128xf32, #tpu.memory_space<vmem>> -> memref<80x128xf32, #tpu.memory_space<vmem>>
      %dma_wait3A_222 = arith.constant 0 : i32
      %dma_wait3A_223 = tpu.memref_slice %arg7[%add3A_26, %dma_wait3A_222] : memref<10000x128xf32, #tpu.memory_space<vmem_shared>> -> memref<80x128xf32, #tpu.memory_space<vmem_shared>>
      %dma_wait3A_224 = arith.constant 0 : i32
      %dma_wait3A_225 = tpu.memref_slice %arg7[%add3A_26, %dma_wait3A_224] : memref<10000x128xf32, #tpu.memory_space<vmem_shared>> -> memref<80x128xf32, #tpu.memory_space<vmem_shared>>
      %dma_wait3A_226 = arith.constant 0 : i32
      %dma_wait3A_227 = arith.constant 0 : i32
      %dma_wait3A_228 = tpu.memref_slice %arg10[%run_scoped3A_27, %dma_wait3A_226, %dma_wait3A_227] : memref<2x80x128xf32, #tpu.memory_space<vmem>> -> memref<1x80x128xf32, #tpu.memory_space<vmem>>
      %dma_wait3A_229 = tpu.memref_squeeze %dma_wait3A_228 : memref<1x80x128xf32, #tpu.memory_space<vmem>> -> memref<80x128xf32, #tpu.memory_space<vmem>>
      tpu.wait_dma2 semaphore(%run_scoped3A_205 : memref<!tpu.dma_semaphore, #tpu.memory_space<semaphore_mem>>) src(%dma_wait3A_229 : memref<80x128xf32, #tpu.memory_space<vmem>>) dst(%dma_wait3A_225 : memref<80x128xf32, #tpu.memory_space<vmem_shared>>)
      tpu.yield
    }) : () -> ()
    %mul3A_28 = arith.constant 624 : i32
    %mul3A_29 = arith.muli %arg1, %mul3A_28 : i32
    %add3A_30 = arith.constant 400 : i32
    %add3A_31 = arith.addi %mul3A_29, %add3A_30 : i32
    %run_scoped3A_32 = arith.constant 0 : i32
    "tpu.region"() ({
      %run_scoped3A_205 = tpu.sem_alloc : memref<!tpu.dma_semaphore, #tpu.memory_space<semaphore_mem>>
      %dma_start3A_206 = arith.constant 0 : i32
      %dma_start3A_207 = arith.constant 0 : i32
      %dma_start3A_208 = tpu.memref_slice %arg10[%run_scoped3A_32, %dma_start3A_206, %dma_start3A_207] : memref<2x80x128xf32, #tpu.memory_space<vmem>> -> memref<1x80x128xf32, #tpu.memory_space<vmem>>
      %dma_start3A_209 = tpu.memref_squeeze %dma_start3A_208 : memref<1x80x128xf32, #tpu.memory_space<vmem>> -> memref<80x128xf32, #tpu.memory_space<vmem>>
      %dma_start3A_210 = arith.constant 0 : i32
      %dma_start3A_211 = tpu.memref_slice %arg7[%add3A_31, %dma_start3A_210] : memref<10000x128xf32, #tpu.memory_space<vmem_shared>> -> memref<80x128xf32, #tpu.memory_space<vmem_shared>>
      %dma_start3A_212 = arith.constant 0 : i32
      %dma_start3A_213 = tpu.memref_slice %arg7[%add3A_31, %dma_start3A_212] : memref<10000x128xf32, #tpu.memory_space<vmem_shared>> -> memref<80x128xf32, #tpu.memory_space<vmem_shared>>
      %dma_start3A_214 = arith.constant 0 : i32
      %dma_start3A_215 = arith.constant 0 : i32
      %dma_start3A_216 = tpu.memref_slice %arg10[%run_scoped3A_32, %dma_start3A_214, %dma_start3A_215] : memref<2x80x128xf32, #tpu.memory_space<vmem>> -> memref<1x80x128xf32, #tpu.memory_space<vmem>>
      %dma_start3A_217 = tpu.memref_squeeze %dma_start3A_216 : memref<1x80x128xf32, #tpu.memory_space<vmem>> -> memref<80x128xf32, #tpu.memory_space<vmem>>
      tpu.enqueue_dma source(%dma_start3A_217 : memref<80x128xf32, #tpu.memory_space<vmem>>) target(%dma_start3A_213 : memref<80x128xf32, #tpu.memory_space<vmem_shared>>) target_semaphore(%run_scoped3A_205 : memref<!tpu.dma_semaphore, #tpu.memory_space<semaphore_mem>>)
      %dma_wait3A_218 = arith.constant 0 : i32
      %dma_wait3A_219 = arith.constant 0 : i32
      %dma_wait3A_220 = tpu.memref_slice %arg10[%run_scoped3A_32, %dma_wait3A_218, %dma_wait3A_219] : memref<2x80x128xf32, #tpu.memory_space<vmem>> -> memref<1x80x128xf32, #tpu.memory_space<vmem>>
      %dma_wait3A_221 = tpu.memref_squeeze %dma_wait3A_220 : memref<1x80x128xf32, #tpu.memory_space<vmem>> -> memref<80x128xf32, #tpu.memory_space<vmem>>
      %dma_wait3A_222 = arith.constant 0 : i32
      %dma_wait3A_223 = tpu.memref_slice %arg7[%add3A_31, %dma_wait3A_222] : memref<10000x128xf32, #tpu.memory_space<vmem_shared>> -> memref<80x128xf32, #tpu.memory_space<vmem_shared>>
      %dma_wait3A_224 = arith.constant 0 : i32
      %dma_wait3A_225 = tpu.memref_slice %arg7[%add3A_31, %dma_wait3A_224] : memref<10000x128xf32, #tpu.memory_space<vmem_shared>> -> memref<80x128xf32, #tpu.memory_space<vmem_shared>>
      %dma_wait3A_226 = arith.constant 0 : i32
      %dma_wait3A_227 = arith.constant 0 : i32
      %dma_wait3A_228 = tpu.memref_slice %arg10[%run_scoped3A_32, %dma_wait3A_226, %dma_wait3A_227] : memref<2x80x128xf32, #tpu.memory_space<vmem>> -> memref<1x80x128xf32, #tpu.memory_space<vmem>>
      %dma_wait3A_229 = tpu.memref_squeeze %dma_wait3A_228 : memref<1x80x128xf32, #tpu.memory_space<vmem>> -> memref<80x128xf32, #tpu.memory_space<vmem>>
      tpu.wait_dma2 semaphore(%run_scoped3A_205 : memref<!tpu.dma_semaphore, #tpu.memory_space<semaphore_mem>>) src(%dma_wait3A_229 : memref<80x128xf32, #tpu.memory_space<vmem>>) dst(%dma_wait3A_225 : memref<80x128xf32, #tpu.memory_space<vmem_shared>>)
      tpu.yield
    }) : () -> ()
    %mul3A_33 = arith.constant 624 : i32
    %mul3A_34 = arith.muli %arg1, %mul3A_33 : i32
    %add3A_35 = arith.constant 480 : i32
    %add3A_36 = arith.addi %mul3A_34, %add3A_35 : i32
    %run_scoped3A_37 = arith.constant 0 : i32
    "tpu.region"() ({
      %run_scoped3A_205 = tpu.sem_alloc : memref<!tpu.dma_semaphore, #tpu.memory_space<semaphore_mem>>
      %dma_start3A_206 = arith.constant 0 : i32
      %dma_start3A_207 = arith.constant 0 : i32
      %dma_start3A_208 = tpu.memref_slice %arg10[%run_scoped3A_37, %dma_start3A_206, %dma_start3A_207] : memref<2x80x128xf32, #tpu.memory_space<vmem>> -> memref<1x80x128xf32, #tpu.memory_space<vmem>>
      %dma_start3A_209 = tpu.memref_squeeze %dma_start3A_208 : memref<1x80x128xf32, #tpu.memory_space<vmem>> -> memref<80x128xf32, #tpu.memory_space<vmem>>
      %dma_start3A_210 = arith.constant 0 : i32
      %dma_start3A_211 = tpu.memref_slice %arg7[%add3A_36, %dma_start3A_210] : memref<10000x128xf32, #tpu.memory_space<vmem_shared>> -> memref<80x128xf32, #tpu.memory_space<vmem_shared>>
      %dma_start3A_212 = arith.constant 0 : i32
      %dma_start3A_213 = tpu.memref_slice %arg7[%add3A_36, %dma_start3A_212] : memref<10000x128xf32, #tpu.memory_space<vmem_shared>> -> memref<80x128xf32, #tpu.memory_space<vmem_shared>>
      %dma_start3A_214 = arith.constant 0 : i32
      %dma_start3A_215 = arith.constant 0 : i32
      %dma_start3A_216 = tpu.memref_slice %arg10[%run_scoped3A_37, %dma_start3A_214, %dma_start3A_215] : memref<2x80x128xf32, #tpu.memory_space<vmem>> -> memref<1x80x128xf32, #tpu.memory_space<vmem>>
      %dma_start3A_217 = tpu.memref_squeeze %dma_start3A_216 : memref<1x80x128xf32, #tpu.memory_space<vmem>> -> memref<80x128xf32, #tpu.memory_space<vmem>>
      tpu.enqueue_dma source(%dma_start3A_217 : memref<80x128xf32, #tpu.memory_space<vmem>>) target(%dma_start3A_213 : memref<80x128xf32, #tpu.memory_space<vmem_shared>>) target_semaphore(%run_scoped3A_205 : memref<!tpu.dma_semaphore, #tpu.memory_space<semaphore_mem>>)
      %dma_wait3A_218 = arith.constant 0 : i32
      %dma_wait3A_219 = arith.constant 0 : i32
      %dma_wait3A_220 = tpu.memref_slice %arg10[%run_scoped3A_37, %dma_wait3A_218, %dma_wait3A_219] : memref<2x80x128xf32, #tpu.memory_space<vmem>> -> memref<1x80x128xf32, #tpu.memory_space<vmem>>
      %dma_wait3A_221 = tpu.memref_squeeze %dma_wait3A_220 : memref<1x80x128xf32, #tpu.memory_space<vmem>> -> memref<80x128xf32, #tpu.memory_space<vmem>>
      %dma_wait3A_222 = arith.constant 0 : i32
      %dma_wait3A_223 = tpu.memref_slice %arg7[%add3A_36, %dma_wait3A_222] : memref<10000x128xf32, #tpu.memory_space<vmem_shared>> -> memref<80x128xf32, #tpu.memory_space<vmem_shared>>
      %dma_wait3A_224 = arith.constant 0 : i32
      %dma_wait3A_225 = tpu.memref_slice %arg7[%add3A_36, %dma_wait3A_224] : memref<10000x128xf32, #tpu.memory_space<vmem_shared>> -> memref<80x128xf32, #tpu.memory_space<vmem_shared>>
      %dma_wait3A_226 = arith.constant 0 : i32
      %dma_wait3A_227 = arith.constant 0 : i32
      %dma_wait3A_228 = tpu.memref_slice %arg10[%run_scoped3A_37, %dma_wait3A_226, %dma_wait3A_227] : memref<2x80x128xf32, #tpu.memory_space<vmem>> -> memref<1x80x128xf32, #tpu.memory_space<vmem>>
      %dma_wait3A_229 = tpu.memref_squeeze %dma_wait3A_228 : memref<1x80x128xf32, #tpu.memory_space<vmem>> -> memref<80x128xf32, #tpu.memory_space<vmem>>
      tpu.wait_dma2 semaphore(%run_scoped3A_205 : memref<!tpu.dma_semaphore, #tpu.memory_space<semaphore_mem>>) src(%dma_wait3A_229 : memref<80x128xf32, #tpu.memory_space<vmem>>) dst(%dma_wait3A_225 : memref<80x128xf32, #tpu.memory_space<vmem_shared>>)
      tpu.yield
    }) : () -> ()
    %mul3A_38 = arith.constant 624 : i32
    %mul3A_39 = arith.muli %arg1, %mul3A_38 : i32
    %add3A_40 = arith.constant 560 : i32
    %add3A_41 = arith.addi %mul3A_39, %add3A_40 : i32
    %run_scoped3A_42 = arith.constant 0 : i32
    "tpu.region"() ({
      %run_scoped3A_205 = tpu.sem_alloc : memref<!tpu.dma_semaphore, #tpu.memory_space<semaphore_mem>>
      %dma_start3A_206 = arith.constant 0 : i32
      %dma_start3A_207 = arith.constant 0 : i32
      %dma_start3A_208 = tpu.memref_slice %arg10[%run_scoped3A_42, %dma_start3A_206, %dma_start3A_207] : memref<2x80x128xf32, #tpu.memory_space<vmem>> -> memref<1x64x128xf32, #tpu.memory_space<vmem>>
      %dma_start3A_209 = tpu.memref_squeeze %dma_start3A_208 : memref<1x64x128xf32, #tpu.memory_space<vmem>> -> memref<64x128xf32, #tpu.memory_space<vmem>>
      %dma_start3A_210 = arith.constant 0 : i32
      %dma_start3A_211 = tpu.memref_slice %arg7[%add3A_41, %dma_start3A_210] : memref<10000x128xf32, #tpu.memory_space<vmem_shared>> -> memref<64x128xf32, #tpu.memory_space<vmem_shared>>
      %dma_start3A_212 = arith.constant 0 : i32
      %dma_start3A_213 = tpu.memref_slice %arg7[%add3A_41, %dma_start3A_212] : memref<10000x128xf32, #tpu.memory_space<vmem_shared>> -> memref<64x128xf32, #tpu.memory_space<vmem_shared>>
      %dma_start3A_214 = arith.constant 0 : i32
      %dma_start3A_215 = arith.constant 0 : i32
      %dma_start3A_216 = tpu.memref_slice %arg10[%run_scoped3A_42, %dma_start3A_214, %dma_start3A_215] : memref<2x80x128xf32, #tpu.memory_space<vmem>> -> memref<1x64x128xf32, #tpu.memory_space<vmem>>
      %dma_start3A_217 = tpu.memref_squeeze %dma_start3A_216 : memref<1x64x128xf32, #tpu.memory_space<vmem>> -> memref<64x128xf32, #tpu.memory_space<vmem>>
      tpu.enqueue_dma source(%dma_start3A_217 : memref<64x128xf32, #tpu.memory_space<vmem>>) target(%dma_start3A_213 : memref<64x128xf32, #tpu.memory_space<vmem_shared>>) target_semaphore(%run_scoped3A_205 : memref<!tpu.dma_semaphore, #tpu.memory_space<semaphore_mem>>)
      %dma_wait3A_218 = arith.constant 0 : i32
      %dma_wait3A_219 = arith.constant 0 : i32
      %dma_wait3A_220 = tpu.memref_slice %arg10[%run_scoped3A_42, %dma_wait3A_218, %dma_wait3A_219] : memref<2x80x128xf32, #tpu.memory_space<vmem>> -> memref<1x64x128xf32, #tpu.memory_space<vmem>>
      %dma_wait3A_221 = tpu.memref_squeeze %dma_wait3A_220 : memref<1x64x128xf32, #tpu.memory_space<vmem>> -> memref<64x128xf32, #tpu.memory_space<vmem>>
      %dma_wait3A_222 = arith.constant 0 : i32
      %dma_wait3A_223 = tpu.memref_slice %arg7[%add3A_41, %dma_wait3A_222] : memref<10000x128xf32, #tpu.memory_space<vmem_shared>> -> memref<64x128xf32, #tpu.memory_space<vmem_shared>>
      %dma_wait3A_224 = arith.constant 0 : i32
      %dma_wait3A_225 = tpu.memref_slice %arg7[%add3A_41, %dma_wait3A_224] : memref<10000x128xf32, #tpu.memory_space<vmem_shared>> -> memref<64x128xf32, #tpu.memory_space<vmem_shared>>
      %dma_wait3A_226 = arith.constant 0 : i32
      %dma_wait3A_227 = arith.constant 0 : i32
      %dma_wait3A_228 = tpu.memref_slice %arg10[%run_scoped3A_42, %dma_wait3A_226, %dma_wait3A_227] : memref<2x80x128xf32, #tpu.memory_space<vmem>> -> memref<1x64x128xf32, #tpu.memory_space<vmem>>
      %dma_wait3A_229 = tpu.memref_squeeze %dma_wait3A_228 : memref<1x64x128xf32, #tpu.memory_space<vmem>> -> memref<64x128xf32, #tpu.memory_space<vmem>>
      tpu.wait_dma2 semaphore(%run_scoped3A_205 : memref<!tpu.dma_semaphore, #tpu.memory_space<semaphore_mem>>) src(%dma_wait3A_229 : memref<64x128xf32, #tpu.memory_space<vmem>>) dst(%dma_wait3A_225 : memref<64x128xf32, #tpu.memory_space<vmem_shared>>)
      tpu.yield
    }) : () -> ()
    %eq3A = arith.constant 0 : i32
    %eq3A_43 = arith.cmpi eq, %arg1, %eq3A : i32
    %convert_element_type3A = arith.extui %eq3A_43 : i1 to i32
    %cond3A = arith.constant 0 : i32
    %cond3A_44 = arith.cmpi ne, %convert_element_type3A, %cond3A : i32
    scf.if %cond3A_44 {
      %run_scoped3A_205 = arith.constant 0 : i32
      "tpu.region"() ({
        %run_scoped3A_206 = tpu.sem_alloc : memref<!tpu.dma_semaphore, #tpu.memory_space<semaphore_mem>>
        %dma_start3A_207 = arith.constant 0 : i32
        %dma_start3A_208 = arith.constant 0 : i32
        %dma_start3A_209 = tpu.memref_slice %arg10[%run_scoped3A_205, %dma_start3A_207, %dma_start3A_208] : memref<2x80x128xf32, #tpu.memory_space<vmem>> -> memref<1x16x128xf32, #tpu.memory_space<vmem>>
        %dma_start3A_210 = tpu.memref_squeeze %dma_start3A_209 : memref<1x16x128xf32, #tpu.memory_space<vmem>> -> memref<16x128xf32, #tpu.memory_space<vmem>>
        %dma_start3A_211 = arith.constant 9984 : i32
        %dma_start3A_212 = arith.constant 0 : i32
        %dma_start3A_213 = tpu.memref_slice %arg7[%dma_start3A_211, %dma_start3A_212] : memref<10000x128xf32, #tpu.memory_space<vmem_shared>> -> memref<16x128xf32, #tpu.memory_space<vmem_shared>>
        %dma_start3A_214 = arith.constant 9984 : i32
        %dma_start3A_215 = arith.constant 0 : i32
        %dma_start3A_216 = tpu.memref_slice %arg7[%dma_start3A_214, %dma_start3A_215] : memref<10000x128xf32, #tpu.memory_space<vmem_shared>> -> memref<16x128xf32, #tpu.memory_space<vmem_shared>>
        %dma_start3A_217 = arith.constant 0 : i32
        %dma_start3A_218 = arith.constant 0 : i32
        %dma_start3A_219 = tpu.memref_slice %arg10[%run_scoped3A_205, %dma_start3A_217, %dma_start3A_218] : memref<2x80x128xf32, #tpu.memory_space<vmem>> -> memref<1x16x128xf32, #tpu.memory_space<vmem>>
        %dma_start3A_220 = tpu.memref_squeeze %dma_start3A_219 : memref<1x16x128xf32, #tpu.memory_space<vmem>> -> memref<16x128xf32, #tpu.memory_space<vmem>>
        tpu.enqueue_dma source(%dma_start3A_220 : memref<16x128xf32, #tpu.memory_space<vmem>>) target(%dma_start3A_216 : memref<16x128xf32, #tpu.memory_space<vmem_shared>>) target_semaphore(%run_scoped3A_206 : memref<!tpu.dma_semaphore, #tpu.memory_space<semaphore_mem>>)
        %dma_wait3A_221 = arith.constant 0 : i32
        %dma_wait3A_222 = arith.constant 0 : i32
        %dma_wait3A_223 = tpu.memref_slice %arg10[%run_scoped3A_205, %dma_wait3A_221, %dma_wait3A_222] : memref<2x80x128xf32, #tpu.memory_space<vmem>> -> memref<1x16x128xf32, #tpu.memory_space<vmem>>
        %dma_wait3A_224 = tpu.memref_squeeze %dma_wait3A_223 : memref<1x16x128xf32, #tpu.memory_space<vmem>> -> memref<16x128xf32, #tpu.memory_space<vmem>>
        %dma_wait3A_225 = arith.constant 9984 : i32
        %dma_wait3A_226 = arith.constant 0 : i32
        %dma_wait3A_227 = tpu.memref_slice %arg7[%dma_wait3A_225, %dma_wait3A_226] : memref<10000x128xf32, #tpu.memory_space<vmem_shared>> -> memref<16x128xf32, #tpu.memory_space<vmem_shared>>
        %dma_wait3A_228 = arith.constant 9984 : i32
        %dma_wait3A_229 = arith.constant 0 : i32
        %dma_wait3A_230 = tpu.memref_slice %arg7[%dma_wait3A_228, %dma_wait3A_229] : memref<10000x128xf32, #tpu.memory_space<vmem_shared>> -> memref<16x128xf32, #tpu.memory_space<vmem_shared>>
        %dma_wait3A_231 = arith.constant 0 : i32
        %dma_wait3A_232 = arith.constant 0 : i32
        %dma_wait3A_233 = tpu.memref_slice %arg10[%run_scoped3A_205, %dma_wait3A_231, %dma_wait3A_232] : memref<2x80x128xf32, #tpu.memory_space<vmem>> -> memref<1x16x128xf32, #tpu.memory_space<vmem>>
        %dma_wait3A_234 = tpu.memref_squeeze %dma_wait3A_233 : memref<1x16x128xf32, #tpu.memory_space<vmem>> -> memref<16x128xf32, #tpu.memory_space<vmem>>
        tpu.wait_dma2 semaphore(%run_scoped3A_206 : memref<!tpu.dma_semaphore, #tpu.memory_space<semaphore_mem>>) src(%dma_wait3A_234 : memref<16x128xf32, #tpu.memory_space<vmem>>) dst(%dma_wait3A_230 : memref<16x128xf32, #tpu.memory_space<vmem_shared>>)
        tpu.yield
      }) : () -> ()
    } else {
    }
    %barrier3A = arith.constant 0 : index
    tpu.barrier barrier_id(%barrier3A)
    %mul3A_45 = arith.constant 10000 : i32
    %mul3A_46 = arith.muli %arg1, %mul3A_45 : i32
    %add3A_47 = arith.constant 0 : i32
    %add3A_48 = arith.addi %mul3A_46, %add3A_47 : i32
    %mul3A_49 = arith.constant 160000 : i32
    %mul3A_50 = arith.muli %arg0, %mul3A_49 : i32
    %add3A_51 = arith.addi %mul3A_50, %add3A_48 : i32
    %dma_start3A = arith.constant 0 : i32
    %dma_start3A_52 = arith.constant 0 : i32
    %dma_start3A_53 = arith.constant 0 : i32
    %dma_start3A_54 = tpu.memref_slice %arg8[%dma_start3A, %dma_start3A_53] : memref<4x80xi32, #tpu.memory_space<vmem>> -> memref<1x80xi32, #tpu.memory_space<vmem>>
    %dma_start3A_55 = tpu.memref_squeeze %dma_start3A_54 : memref<1x80xi32, #tpu.memory_space<vmem>> -> memref<80xi32, #tpu.memory_space<vmem>>
    %dma_start3A_56 = tpu.memref_slice %arg5[%add3A_51] : memref<320000xi32, #tpu.memory_space<hbm>> -> memref<80xi32, #tpu.memory_space<hbm>>
    %dma_start3A_57 = tpu.memref_slice %arg12[%dma_start3A_52] : memref<4x!tpu.dma_semaphore, #tpu.memory_space<semaphore_mem>> -> memref<1x!tpu.dma_semaphore, #tpu.memory_space<semaphore_mem>>
    %dma_start3A_58 = tpu.memref_squeeze %dma_start3A_57 : memref<1x!tpu.dma_semaphore, #tpu.memory_space<semaphore_mem>> -> memref<!tpu.dma_semaphore, #tpu.memory_space<semaphore_mem>>
    %dma_start3A_59 = arith.constant 0 : i32
    %dma_start3A_60 = tpu.memref_slice %arg8[%dma_start3A, %dma_start3A_59] : memref<4x80xi32, #tpu.memory_space<vmem>> -> memref<1x80xi32, #tpu.memory_space<vmem>>
    %dma_start3A_61 = tpu.memref_squeeze %dma_start3A_60 : memref<1x80xi32, #tpu.memory_space<vmem>> -> memref<80xi32, #tpu.memory_space<vmem>>
    %dma_start3A_62 = tpu.memref_slice %arg5[%add3A_51] : memref<320000xi32, #tpu.memory_space<hbm>> -> memref<80xi32, #tpu.memory_space<hbm>>
    tpu.enqueue_dma source(%dma_start3A_62 : memref<80xi32, #tpu.memory_space<hbm>>) target(%dma_start3A_61 : memref<80xi32, #tpu.memory_space<vmem>>) target_semaphore(%dma_start3A_58 : memref<!tpu.dma_semaphore, #tpu.memory_space<semaphore_mem>>)
    %dma_start3A_63 = arith.constant 0 : i32
    %dma_start3A_64 = arith.constant 0 : i32
    %dma_start3A_65 = arith.constant 0 : i32
    %dma_start3A_66 = tpu.memref_slice %arg9[%dma_start3A_63, %dma_start3A_65] : memref<4x80xi32, #tpu.memory_space<vmem>> -> memref<1x80xi32, #tpu.memory_space<vmem>>
    %dma_start3A_67 = tpu.memref_squeeze %dma_start3A_66 : memref<1x80xi32, #tpu.memory_space<vmem>> -> memref<80xi32, #tpu.memory_space<vmem>>
    %dma_start3A_68 = tpu.memref_slice %arg4[%add3A_48] : memref<160000xi32, #tpu.memory_space<hbm>> -> memref<80xi32, #tpu.memory_space<hbm>>
    %dma_start3A_69 = tpu.memref_slice %arg12[%dma_start3A_64] : memref<4x!tpu.dma_semaphore, #tpu.memory_space<semaphore_mem>> -> memref<1x!tpu.dma_semaphore, #tpu.memory_space<semaphore_mem>>
    %dma_start3A_70 = tpu.memref_squeeze %dma_start3A_69 : memref<1x!tpu.dma_semaphore, #tpu.memory_space<semaphore_mem>> -> memref<!tpu.dma_semaphore, #tpu.memory_space<semaphore_mem>>
    %dma_start3A_71 = arith.constant 0 : i32
    %dma_start3A_72 = tpu.memref_slice %arg9[%dma_start3A_63, %dma_start3A_71] : memref<4x80xi32, #tpu.memory_space<vmem>> -> memref<1x80xi32, #tpu.memory_space<vmem>>
    %dma_start3A_73 = tpu.memref_squeeze %dma_start3A_72 : memref<1x80xi32, #tpu.memory_space<vmem>> -> memref<80xi32, #tpu.memory_space<vmem>>
    %dma_start3A_74 = tpu.memref_slice %arg4[%add3A_48] : memref<160000xi32, #tpu.memory_space<hbm>> -> memref<80xi32, #tpu.memory_space<hbm>>
    tpu.enqueue_dma source(%dma_start3A_74 : memref<80xi32, #tpu.memory_space<hbm>>) target(%dma_start3A_73 : memref<80xi32, #tpu.memory_space<vmem>>) target_semaphore(%dma_start3A_70 : memref<!tpu.dma_semaphore, #tpu.memory_space<semaphore_mem>>)
    %mul3A_75 = arith.constant 10000 : i32
    %mul3A_76 = arith.muli %arg1, %mul3A_75 : i32
    %add3A_77 = arith.constant 80 : i32
    %add3A_78 = arith.addi %mul3A_76, %add3A_77 : i32
    %mul3A_79 = arith.constant 160000 : i32
    %mul3A_80 = arith.muli %arg0, %mul3A_79 : i32
    %add3A_81 = arith.addi %mul3A_80, %add3A_78 : i32
    %dma_start3A_82 = arith.constant 1 : i32
    %dma_start3A_83 = arith.constant 1 : i32
    %dma_start3A_84 = arith.constant 0 : i32
    %dma_start3A_85 = tpu.memref_slice %arg8[%dma_start3A_82, %dma_start3A_84] : memref<4x80xi32, #tpu.memory_space<vmem>> -> memref<1x80xi32, #tpu.memory_space<vmem>>
    %dma_start3A_86 = tpu.memref_squeeze %dma_start3A_85 : memref<1x80xi32, #tpu.memory_space<vmem>> -> memref<80xi32, #tpu.memory_space<vmem>>
    %dma_start3A_87 = tpu.memref_slice %arg5[%add3A_81] : memref<320000xi32, #tpu.memory_space<hbm>> -> memref<80xi32, #tpu.memory_space<hbm>>
    %dma_start3A_88 = tpu.memref_slice %arg12[%dma_start3A_83] : memref<4x!tpu.dma_semaphore, #tpu.memory_space<semaphore_mem>> -> memref<1x!tpu.dma_semaphore, #tpu.memory_space<semaphore_mem>>
    %dma_start3A_89 = tpu.memref_squeeze %dma_start3A_88 : memref<1x!tpu.dma_semaphore, #tpu.memory_space<semaphore_mem>> -> memref<!tpu.dma_semaphore, #tpu.memory_space<semaphore_mem>>
    %dma_start3A_90 = arith.constant 0 : i32
    %dma_start3A_91 = tpu.memref_slice %arg8[%dma_start3A_82, %dma_start3A_90] : memref<4x80xi32, #tpu.memory_space<vmem>> -> memref<1x80xi32, #tpu.memory_space<vmem>>
    %dma_start3A_92 = tpu.memref_squeeze %dma_start3A_91 : memref<1x80xi32, #tpu.memory_space<vmem>> -> memref<80xi32, #tpu.memory_space<vmem>>
    %dma_start3A_93 = tpu.memref_slice %arg5[%add3A_81] : memref<320000xi32, #tpu.memory_space<hbm>> -> memref<80xi32, #tpu.memory_space<hbm>>
    tpu.enqueue_dma source(%dma_start3A_93 : memref<80xi32, #tpu.memory_space<hbm>>) target(%dma_start3A_92 : memref<80xi32, #tpu.memory_space<vmem>>) target_semaphore(%dma_start3A_89 : memref<!tpu.dma_semaphore, #tpu.memory_space<semaphore_mem>>)
    %dma_start3A_94 = arith.constant 1 : i32
    %dma_start3A_95 = arith.constant 1 : i32
    %dma_start3A_96 = arith.constant 0 : i32
    %dma_start3A_97 = tpu.memref_slice %arg9[%dma_start3A_94, %dma_start3A_96] : memref<4x80xi32, #tpu.memory_space<vmem>> -> memref<1x80xi32, #tpu.memory_space<vmem>>
    %dma_start3A_98 = tpu.memref_squeeze %dma_start3A_97 : memref<1x80xi32, #tpu.memory_space<vmem>> -> memref<80xi32, #tpu.memory_space<vmem>>
    %dma_start3A_99 = tpu.memref_slice %arg4[%add3A_78] : memref<160000xi32, #tpu.memory_space<hbm>> -> memref<80xi32, #tpu.memory_space<hbm>>
    %dma_start3A_100 = tpu.memref_slice %arg12[%dma_start3A_95] : memref<4x!tpu.dma_semaphore, #tpu.memory_space<semaphore_mem>> -> memref<1x!tpu.dma_semaphore, #tpu.memory_space<semaphore_mem>>
    %dma_start3A_101 = tpu.memref_squeeze %dma_start3A_100 : memref<1x!tpu.dma_semaphore, #tpu.memory_space<semaphore_mem>> -> memref<!tpu.dma_semaphore, #tpu.memory_space<semaphore_mem>>
    %dma_start3A_102 = arith.constant 0 : i32
    %dma_start3A_103 = tpu.memref_slice %arg9[%dma_start3A_94, %dma_start3A_102] : memref<4x80xi32, #tpu.memory_space<vmem>> -> memref<1x80xi32, #tpu.memory_space<vmem>>
    %dma_start3A_104 = tpu.memref_squeeze %dma_start3A_103 : memref<1x80xi32, #tpu.memory_space<vmem>> -> memref<80xi32, #tpu.memory_space<vmem>>
    %dma_start3A_105 = tpu.memref_slice %arg4[%add3A_78] : memref<160000xi32, #tpu.memory_space<hbm>> -> memref<80xi32, #tpu.memory_space<hbm>>
    tpu.enqueue_dma source(%dma_start3A_105 : memref<80xi32, #tpu.memory_space<hbm>>) target(%dma_start3A_104 : memref<80xi32, #tpu.memory_space<vmem>>) target_semaphore(%dma_start3A_101 : memref<!tpu.dma_semaphore, #tpu.memory_space<semaphore_mem>>)
    %mul3A_106 = arith.constant 10000 : i32
    %mul3A_107 = arith.muli %arg1, %mul3A_106 : i32
    %add3A_108 = arith.constant 0 : i32
    %add3A_109 = arith.addi %mul3A_107, %add3A_108 : i32
    %mul3A_110 = arith.constant 160000 : i32
    %mul3A_111 = arith.muli %arg0, %mul3A_110 : i32
    %add3A_112 = arith.addi %mul3A_111, %add3A_109 : i32
    %dma_wait3A = arith.constant 0 : i32
    %dma_wait3A_113 = arith.constant 0 : i32
    %dma_wait3A_114 = arith.constant 0 : i32
    %dma_wait3A_115 = tpu.memref_slice %arg8[%dma_wait3A, %dma_wait3A_114] : memref<4x80xi32, #tpu.memory_space<vmem>> -> memref<1x80xi32, #tpu.memory_space<vmem>>
    %dma_wait3A_116 = tpu.memref_squeeze %dma_wait3A_115 : memref<1x80xi32, #tpu.memory_space<vmem>> -> memref<80xi32, #tpu.memory_space<vmem>>
    %dma_wait3A_117 = tpu.memref_slice %arg5[%add3A_112] : memref<320000xi32, #tpu.memory_space<hbm>> -> memref<80xi32, #tpu.memory_space<hbm>>
    %dma_wait3A_118 = tpu.memref_slice %arg12[%dma_wait3A_113] : memref<4x!tpu.dma_semaphore, #tpu.memory_space<semaphore_mem>> -> memref<1x!tpu.dma_semaphore, #tpu.memory_space<semaphore_mem>>
    %dma_wait3A_119 = tpu.memref_squeeze %dma_wait3A_118 : memref<1x!tpu.dma_semaphore, #tpu.memory_space<semaphore_mem>> -> memref<!tpu.dma_semaphore, #tpu.memory_space<semaphore_mem>>
    %dma_wait3A_120 = arith.constant 0 : i32
    %dma_wait3A_121 = tpu.memref_slice %arg8[%dma_wait3A, %dma_wait3A_120] : memref<4x80xi32, #tpu.memory_space<vmem>> -> memref<1x80xi32, #tpu.memory_space<vmem>>
    %dma_wait3A_122 = tpu.memref_squeeze %dma_wait3A_121 : memref<1x80xi32, #tpu.memory_space<vmem>> -> memref<80xi32, #tpu.memory_space<vmem>>
    %dma_wait3A_123 = tpu.memref_slice %arg5[%add3A_112] : memref<320000xi32, #tpu.memory_space<hbm>> -> memref<80xi32, #tpu.memory_space<hbm>>
    tpu.wait_dma2 semaphore(%dma_wait3A_119 : memref<!tpu.dma_semaphore, #tpu.memory_space<semaphore_mem>>) src(%dma_wait3A_123 : memref<80xi32, #tpu.memory_space<hbm>>) dst(%dma_wait3A_122 : memref<80xi32, #tpu.memory_space<vmem>>)
    %dma_wait3A_124 = arith.constant 0 : i32
    %dma_wait3A_125 = arith.constant 0 : i32
    %dma_wait3A_126 = arith.constant 0 : i32
    %dma_wait3A_127 = tpu.memref_slice %arg9[%dma_wait3A_124, %dma_wait3A_126] : memref<4x80xi32, #tpu.memory_space<vmem>> -> memref<1x80xi32, #tpu.memory_space<vmem>>
    %dma_wait3A_128 = tpu.memref_squeeze %dma_wait3A_127 : memref<1x80xi32, #tpu.memory_space<vmem>> -> memref<80xi32, #tpu.memory_space<vmem>>
    %dma_wait3A_129 = tpu.memref_slice %arg4[%add3A_109] : memref<160000xi32, #tpu.memory_space<hbm>> -> memref<80xi32, #tpu.memory_space<hbm>>
    %dma_wait3A_130 = tpu.memref_slice %arg12[%dma_wait3A_125] : memref<4x!tpu.dma_semaphore, #tpu.memory_space<semaphore_mem>> -> memref<1x!tpu.dma_semaphore, #tpu.memory_space<semaphore_mem>>
    %dma_wait3A_131 = tpu.memref_squeeze %dma_wait3A_130 : memref<1x!tpu.dma_semaphore, #tpu.memory_space<semaphore_mem>> -> memref<!tpu.dma_semaphore, #tpu.memory_space<semaphore_mem>>
    %dma_wait3A_132 = arith.constant 0 : i32
    %dma_wait3A_133 = tpu.memref_slice %arg9[%dma_wait3A_124, %dma_wait3A_132] : memref<4x80xi32, #tpu.memory_space<vmem>> -> memref<1x80xi32, #tpu.memory_space<vmem>>
    %dma_wait3A_134 = tpu.memref_squeeze %dma_wait3A_133 : memref<1x80xi32, #tpu.memory_space<vmem>> -> memref<80xi32, #tpu.memory_space<vmem>>
    %dma_wait3A_135 = tpu.memref_slice %arg4[%add3A_109] : memref<160000xi32, #tpu.memory_space<hbm>> -> memref<80xi32, #tpu.memory_space<hbm>>
    tpu.wait_dma2 semaphore(%dma_wait3A_131 : memref<!tpu.dma_semaphore, #tpu.memory_space<semaphore_mem>>) src(%dma_wait3A_135 : memref<80xi32, #tpu.memory_space<hbm>>) dst(%dma_wait3A_134 : memref<80xi32, #tpu.memory_space<vmem>>)
    %mul3A_136 = arith.constant 10000 : i32
    %mul3A_137 = arith.muli %arg1, %mul3A_136 : i32
    %add3A_138 = arith.constant 0 : i32
    %add3A_139 = arith.addi %mul3A_137, %add3A_138 : i32
    %mul3A_140 = arith.constant 128 : i32
    %mul3A_141 = arith.muli %arg0, %mul3A_140 : i32
    %dma_start3A_142 = arith.constant 0 : i32
    %dma_start3A_143 = arith.constant 0 : i32
    %dma_start3A_144 = arith.constant 0 : i32
    %dma_start3A_145 = arith.constant 0 : i32
    %dma_start3A_146 = arith.constant 0 : i32
    %dma_start3A_147 = tpu.memref_slice %arg10[%dma_start3A_143, %dma_start3A_145, %dma_start3A_146] : memref<2x80x128xf32, #tpu.memory_space<vmem>> -> memref<1x80x128xf32, #tpu.memory_space<vmem>>
    %dma_start3A_148 = tpu.memref_squeeze %dma_start3A_147 : memref<1x80x128xf32, #tpu.memory_space<vmem>> -> memref<80x128xf32, #tpu.memory_space<vmem>>
    %dma_start3A_149 = arith.constant 0 : i32
    %dma_start3A_150 = tpu.memref_slice %arg8[%dma_start3A_142, %dma_start3A_149] : memref<4x80xi32, #tpu.memory_space<vmem>> -> memref<1x80xi32, #tpu.memory_space<vmem>>
    %dma_start3A_151 = tpu.memref_squeeze %dma_start3A_150 : memref<1x80xi32, #tpu.memory_space<vmem>> -> memref<80xi32, #tpu.memory_space<vmem>>
    %dma_start3A_152 = arith.constant 0 : i32
    %dma_start3A_153 = arith.constant 0 : i32
    %dma_start3A_154 = tpu.memref_slice %arg2[%dma_start3A_152, %dma_start3A_153] : memref<20000x128xf32, #tpu.memory_space<hbm>> -> memref<20000x128xf32, #tpu.memory_space<hbm>>
    %dma_start3A_155 = tpu.memref_slice %arg13[%dma_start3A_144] : memref<2x!tpu.dma_semaphore, #tpu.memory_space<semaphore_mem>> -> memref<1x!tpu.dma_semaphore, #tpu.memory_space<semaphore_mem>>
    %dma_start3A_156 = tpu.memref_squeeze %dma_start3A_155 : memref<1x!tpu.dma_semaphore, #tpu.memory_space<semaphore_mem>> -> memref<!tpu.dma_semaphore, #tpu.memory_space<semaphore_mem>>
    tpu.enqueue_indirect_dma source(%dma_start3A_154 : memref<20000x128xf32, #tpu.memory_space<hbm>>) target(%dma_start3A_148 : memref<80x128xf32, #tpu.memory_space<vmem>>) offsets(%dma_start3A_151 : memref<80xi32, #tpu.memory_space<vmem>>) semaphore(%dma_start3A_156 : memref<!tpu.dma_semaphore, #tpu.memory_space<semaphore_mem>>)
    %dma_start3A_157 = arith.constant 0 : i32
    %dma_start3A_158 = arith.constant 0 : i32
    %dma_start3A_159 = arith.constant 0 : i32
    %dma_start3A_160 = arith.constant 0 : i32
    %dma_start3A_161 = tpu.memref_slice %arg11[%dma_start3A_157, %dma_start3A_159, %dma_start3A_160] : memref<2x80x128xf32, #tpu.memory_space<vmem>> -> memref<1x80x128xf32, #tpu.memory_space<vmem>>
    %dma_start3A_162 = tpu.memref_squeeze %dma_start3A_161 : memref<1x80x128xf32, #tpu.memory_space<vmem>> -> memref<80x128xf32, #tpu.memory_space<vmem>>
    %dma_start3A_163 = tpu.memref_slice %arg3[%add3A_139, %mul3A_141] : memref<160000x256xf32, #tpu.memory_space<hbm>> -> memref<80x128xf32, #tpu.memory_space<hbm>>
    %dma_start3A_164 = tpu.memref_slice %arg14[%dma_start3A_158] : memref<2x!tpu.dma_semaphore, #tpu.memory_space<semaphore_mem>> -> memref<1x!tpu.dma_semaphore, #tpu.memory_space<semaphore_mem>>
    %dma_start3A_165 = tpu.memref_squeeze %dma_start3A_164 : memref<1x!tpu.dma_semaphore, #tpu.memory_space<semaphore_mem>> -> memref<!tpu.dma_semaphore, #tpu.memory_space<semaphore_mem>>
    %dma_start3A_166 = arith.constant 0 : i32
    %dma_start3A_167 = arith.constant 0 : i32
    %dma_start3A_168 = tpu.memref_slice %arg11[%dma_start3A_157, %dma_start3A_166, %dma_start3A_167] : memref<2x80x128xf32, #tpu.memory_space<vmem>> -> memref<1x80x128xf32, #tpu.memory_space<vmem>>
    %dma_start3A_169 = tpu.memref_squeeze %dma_start3A_168 : memref<1x80x128xf32, #tpu.memory_space<vmem>> -> memref<80x128xf32, #tpu.memory_space<vmem>>
    %dma_start3A_170 = tpu.memref_slice %arg3[%add3A_139, %mul3A_141] : memref<160000x256xf32, #tpu.memory_space<hbm>> -> memref<80x128xf32, #tpu.memory_space<hbm>>
    tpu.enqueue_dma source(%dma_start3A_170 : memref<80x128xf32, #tpu.memory_space<hbm>>) target(%dma_start3A_169 : memref<80x128xf32, #tpu.memory_space<vmem>>) target_semaphore(%dma_start3A_165 : memref<!tpu.dma_semaphore, #tpu.memory_space<semaphore_mem>>)
    %scan3A_171 = arith.constant 0 : i32
    %scan3A_172 = arith.constant 0 : i32
    %scan3A_173 = arith.constant 125 : i32
    %scan3A_174 = arith.addi %scan3A_172, %scan3A_173 : i32
    %scan3A_175 = arith.constant 1 : i32
    scf.for %scan3A_205 = %scan3A_172 to %scan3A_174 step %scan3A_175  : i32 {
      %jit3A = arith.constant 2 : i32
      %eq3A_206 = arith.constant 0 : i32
      %eq3A_207 = arith.cmpi eq, %jit3A, %eq3A_206 : i32
      %jit3A_208 = arith.constant 1 : i32
      %select_n3A = arith.select %eq3A_207, %jit3A_208, %jit3A : i32
      %rem3A = arith.remsi %scan3A_205, %select_n3A : i32
      %ne3A = arith.constant 0 : i32
      %ne3A_209 = arith.cmpi ne, %rem3A, %ne3A : i32
      %lt3A = arith.constant 0 : i32
      %lt3A_210 = arith.cmpi slt, %rem3A, %lt3A : i32
      %lt3A_211 = arith.constant 0 : i32
      %lt3A_212 = arith.cmpi slt, %select_n3A, %lt3A_211 : i32
      %ne3A_213 = arith.xori %lt3A_210, %lt3A_212 : i1
      %and3A = arith.andi %ne3A_213, %ne3A_209 : i1
      %add3A_214 = arith.addi %rem3A, %select_n3A : i32
      %select_n3A_215 = arith.select %and3A, %add3A_214, %rem3A : i32
      %jit3A_216 = arith.constant 2 : i32
      %eq3A_217 = arith.constant 0 : i32
      %eq3A_218 = arith.cmpi eq, %jit3A_216, %eq3A_217 : i32
      %jit3A_219 = arith.constant 1 : i32
      %select_n3A_220 = arith.select %eq3A_218, %jit3A_219, %jit3A_216 : i32
      %rem3A_221 = arith.remsi %scan3A_205, %select_n3A_220 : i32
      %ne3A_222 = arith.constant 0 : i32
      %ne3A_223 = arith.cmpi ne, %rem3A_221, %ne3A_222 : i32
      %lt3A_224 = arith.constant 0 : i32
      %lt3A_225 = arith.cmpi slt, %rem3A_221, %lt3A_224 : i32
      %lt3A_226 = arith.constant 0 : i32
      %lt3A_227 = arith.cmpi slt, %select_n3A_220, %lt3A_226 : i32
      %ne3A_228 = arith.xori %lt3A_225, %lt3A_227 : i1
      %and3A_229 = arith.andi %ne3A_228, %ne3A_223 : i1
      %add3A_230 = arith.addi %rem3A_221, %select_n3A_220 : i32
      %select_n3A_231 = arith.select %and3A_229, %add3A_230, %rem3A_221 : i32
      %jit3A_232 = arith.constant 4 : i32
      %eq3A_233 = arith.constant 0 : i32
      %eq3A_234 = arith.cmpi eq, %jit3A_232, %eq3A_233 : i32
      %jit3A_235 = arith.constant 1 : i32
      %select_n3A_236 = arith.select %eq3A_234, %jit3A_235, %jit3A_232 : i32
      %rem3A_237 = arith.remsi %scan3A_205, %select_n3A_236 : i32
      %ne3A_238 = arith.constant 0 : i32
      %ne3A_239 = arith.cmpi ne, %rem3A_237, %ne3A_238 : i32
      %lt3A_240 = arith.constant 0 : i32
      %lt3A_241 = arith.cmpi slt, %rem3A_237, %lt3A_240 : i32
      %lt3A_242 = arith.constant 0 : i32
      %lt3A_243 = arith.cmpi slt, %select_n3A_236, %lt3A_242 : i32
      %ne3A_244 = arith.xori %lt3A_241, %lt3A_243 : i1
      %and3A_245 = arith.andi %ne3A_244, %ne3A_239 : i1
      %add3A_246 = arith.addi %rem3A_237, %select_n3A_236 : i32
      %select_n3A_247 = arith.select %and3A_245, %add3A_246, %rem3A_237 : i32
      %mul3A_248 = arith.constant 10000 : i32
      %mul3A_249 = arith.muli %arg1, %mul3A_248 : i32
      %mul3A_250 = arith.constant 80 : i32
      %mul3A_251 = arith.muli %scan3A_205, %mul3A_250 : i32
      %add3A_252 = arith.addi %mul3A_249, %mul3A_251 : i32
      %mul3A_253 = arith.constant 128 : i32
      %mul3A_254 = arith.muli %arg0, %mul3A_253 : i32
      %dma_wait3A_255 = arith.constant 0 : i32
      %dma_wait3A_256 = arith.constant 0 : i32
      %dma_wait3A_257 = tpu.memref_slice %arg10[%select_n3A_231, %dma_wait3A_255, %dma_wait3A_256] : memref<2x80x128xf32, #tpu.memory_space<vmem>> -> memref<1x80x128xf32, #tpu.memory_space<vmem>>
      %dma_wait3A_258 = tpu.memref_squeeze %dma_wait3A_257 : memref<1x80x128xf32, #tpu.memory_space<vmem>> -> memref<80x128xf32, #tpu.memory_space<vmem>>
      %dma_wait3A_259 = arith.constant 0 : i32
      %dma_wait3A_260 = tpu.memref_slice %arg8[%select_n3A_247, %dma_wait3A_259] : memref<4x80xi32, #tpu.memory_space<vmem>> -> memref<1x80xi32, #tpu.memory_space<vmem>>
      %dma_wait3A_261 = tpu.memref_squeeze %dma_wait3A_260 : memref<1x80xi32, #tpu.memory_space<vmem>> -> memref<80xi32, #tpu.memory_space<vmem>>
      %dma_wait3A_262 = arith.constant 0 : i32
      %dma_wait3A_263 = arith.constant 0 : i32
      %dma_wait3A_264 = tpu.memref_slice %arg2[%dma_wait3A_262, %dma_wait3A_263] : memref<20000x128xf32, #tpu.memory_space<hbm>> -> memref<20000x128xf32, #tpu.memory_space<hbm>>
      %dma_wait3A_265 = tpu.memref_slice %arg13[%select_n3A_231] : memref<2x!tpu.dma_semaphore, #tpu.memory_space<semaphore_mem>> -> memref<1x!tpu.dma_semaphore, #tpu.memory_space<semaphore_mem>>
      %dma_wait3A_266 = tpu.memref_squeeze %dma_wait3A_265 : memref<1x!tpu.dma_semaphore, #tpu.memory_space<semaphore_mem>> -> memref<!tpu.dma_semaphore, #tpu.memory_space<semaphore_mem>>
      tpu.wait_indirect_dma semaphore(%dma_wait3A_266 : memref<!tpu.dma_semaphore, #tpu.memory_space<semaphore_mem>>) src(%dma_wait3A_264 : memref<20000x128xf32, #tpu.memory_space<hbm>>) dst(%dma_wait3A_258 : memref<80x128xf32, #tpu.memory_space<vmem>>)
      %dma_wait3A_267 = arith.constant 0 : i32
      %dma_wait3A_268 = arith.constant 0 : i32
      %dma_wait3A_269 = tpu.memref_slice %arg11[%select_n3A_231, %dma_wait3A_267, %dma_wait3A_268] : memref<2x80x128xf32, #tpu.memory_space<vmem>> -> memref<1x80x128xf32, #tpu.memory_space<vmem>>
      %dma_wait3A_270 = tpu.memref_squeeze %dma_wait3A_269 : memref<1x80x128xf32, #tpu.memory_space<vmem>> -> memref<80x128xf32, #tpu.memory_space<vmem>>
      %dma_wait3A_271 = tpu.memref_slice %arg3[%add3A_252, %mul3A_254] : memref<160000x256xf32, #tpu.memory_space<hbm>> -> memref<80x128xf32, #tpu.memory_space<hbm>>
      %dma_wait3A_272 = tpu.memref_slice %arg14[%select_n3A_231] : memref<2x!tpu.dma_semaphore, #tpu.memory_space<semaphore_mem>> -> memref<1x!tpu.dma_semaphore, #tpu.memory_space<semaphore_mem>>
      %dma_wait3A_273 = tpu.memref_squeeze %dma_wait3A_272 : memref<1x!tpu.dma_semaphore, #tpu.memory_space<semaphore_mem>> -> memref<!tpu.dma_semaphore, #tpu.memory_space<semaphore_mem>>
      %dma_wait3A_274 = arith.constant 0 : i32
      %dma_wait3A_275 = arith.constant 0 : i32
      %dma_wait3A_276 = tpu.memref_slice %arg11[%select_n3A_231, %dma_wait3A_274, %dma_wait3A_275] : memref<2x80x128xf32, #tpu.memory_space<vmem>> -> memref<1x80x128xf32, #tpu.memory_space<vmem>>
      %dma_wait3A_277 = tpu.memref_squeeze %dma_wait3A_276 : memref<1x80x128xf32, #tpu.memory_space<vmem>> -> memref<80x128xf32, #tpu.memory_space<vmem>>
      %dma_wait3A_278 = tpu.memref_slice %arg3[%add3A_252, %mul3A_254] : memref<160000x256xf32, #tpu.memory_space<hbm>> -> memref<80x128xf32, #tpu.memory_space<hbm>>
      tpu.wait_dma2 semaphore(%dma_wait3A_273 : memref<!tpu.dma_semaphore, #tpu.memory_space<semaphore_mem>>) src(%dma_wait3A_278 : memref<80x128xf32, #tpu.memory_space<hbm>>) dst(%dma_wait3A_277 : memref<80x128xf32, #tpu.memory_space<vmem>>)
      %add3A_279 = arith.constant 2 : i32
      %add3A_280 = arith.addi %scan3A_205, %add3A_279 : i32
      %lt3A_281 = arith.constant 125 : i32
      %lt3A_282 = arith.cmpi slt, %add3A_280, %lt3A_281 : i32
      %convert_element_type3A_283 = arith.extui %lt3A_282 : i1 to i32
      %cond3A_284 = arith.constant 0 : i32
      %cond3A_285 = arith.cmpi ne, %convert_element_type3A_283, %cond3A_284 : i32
      scf.if %cond3A_285 {
        %add3A_347 = arith.constant 2 : i32
        %add3A_348 = arith.addi %scan3A_205, %add3A_347 : i32
        %jit3A_349 = arith.constant 4 : i32
        %eq3A_350 = arith.constant 0 : i32
        %eq3A_351 = arith.cmpi eq, %jit3A_349, %eq3A_350 : i32
        %jit3A_352 = arith.constant 1 : i32
        %select_n3A_353 = arith.select %eq3A_351, %jit3A_352, %jit3A_349 : i32
        %rem3A_354 = arith.remsi %add3A_348, %select_n3A_353 : i32
        %ne3A_355 = arith.constant 0 : i32
        %ne3A_356 = arith.cmpi ne, %rem3A_354, %ne3A_355 : i32
        %lt3A_357 = arith.constant 0 : i32
        %lt3A_358 = arith.cmpi slt, %rem3A_354, %lt3A_357 : i32
        %lt3A_359 = arith.constant 0 : i32
        %lt3A_360 = arith.cmpi slt, %select_n3A_353, %lt3A_359 : i32
        %ne3A_361 = arith.xori %lt3A_358, %lt3A_360 : i1
        %and3A_362 = arith.andi %ne3A_361, %ne3A_356 : i1
        %add3A_363 = arith.addi %rem3A_354, %select_n3A_353 : i32
        %select_n3A_364 = arith.select %and3A_362, %add3A_363, %rem3A_354 : i32
        %mul3A_365 = arith.constant 10000 : i32
        %mul3A_366 = arith.muli %arg1, %mul3A_365 : i32
        %mul3A_367 = arith.constant 80 : i32
        %mul3A_368 = arith.muli %add3A_348, %mul3A_367 : i32
        %add3A_369 = arith.addi %mul3A_366, %mul3A_368 : i32
        %mul3A_370 = arith.constant 160000 : i32
        %mul3A_371 = arith.muli %arg0, %mul3A_370 : i32
        %add3A_372 = arith.addi %mul3A_371, %add3A_369 : i32
        %dma_start3A_373 = arith.constant 0 : i32
        %dma_start3A_374 = tpu.memref_slice %arg8[%select_n3A_364, %dma_start3A_373] : memref<4x80xi32, #tpu.memory_space<vmem>> -> memref<1x80xi32, #tpu.memory_space<vmem>>
        %dma_start3A_375 = tpu.memref_squeeze %dma_start3A_374 : memref<1x80xi32, #tpu.memory_space<vmem>> -> memref<80xi32, #tpu.memory_space<vmem>>
        %dma_start3A_376 = tpu.memref_slice %arg5[%add3A_372] : memref<320000xi32, #tpu.memory_space<hbm>> -> memref<80xi32, #tpu.memory_space<hbm>>
        %dma_start3A_377 = tpu.memref_slice %arg12[%select_n3A_364] : memref<4x!tpu.dma_semaphore, #tpu.memory_space<semaphore_mem>> -> memref<1x!tpu.dma_semaphore, #tpu.memory_space<semaphore_mem>>
        %dma_start3A_378 = tpu.memref_squeeze %dma_start3A_377 : memref<1x!tpu.dma_semaphore, #tpu.memory_space<semaphore_mem>> -> memref<!tpu.dma_semaphore, #tpu.memory_space<semaphore_mem>>
        %dma_start3A_379 = arith.constant 0 : i32
        %dma_start3A_380 = tpu.memref_slice %arg8[%select_n3A_364, %dma_start3A_379] : memref<4x80xi32, #tpu.memory_space<vmem>> -> memref<1x80xi32, #tpu.memory_space<vmem>>
        %dma_start3A_381 = tpu.memref_squeeze %dma_start3A_380 : memref<1x80xi32, #tpu.memory_space<vmem>> -> memref<80xi32, #tpu.memory_space<vmem>>
        %dma_start3A_382 = tpu.memref_slice %arg5[%add3A_372] : memref<320000xi32, #tpu.memory_space<hbm>> -> memref<80xi32, #tpu.memory_space<hbm>>
        tpu.enqueue_dma source(%dma_start3A_382 : memref<80xi32, #tpu.memory_space<hbm>>) target(%dma_start3A_381 : memref<80xi32, #tpu.memory_space<vmem>>) target_semaphore(%dma_start3A_378 : memref<!tpu.dma_semaphore, #tpu.memory_space<semaphore_mem>>)
        %dma_start3A_383 = arith.constant 0 : i32
        %dma_start3A_384 = tpu.memref_slice %arg9[%select_n3A_364, %dma_start3A_383] : memref<4x80xi32, #tpu.memory_space<vmem>> -> memref<1x80xi32, #tpu.memory_space<vmem>>
        %dma_start3A_385 = tpu.memref_squeeze %dma_start3A_384 : memref<1x80xi32, #tpu.memory_space<vmem>> -> memref<80xi32, #tpu.memory_space<vmem>>
        %dma_start3A_386 = tpu.memref_slice %arg4[%add3A_369] : memref<160000xi32, #tpu.memory_space<hbm>> -> memref<80xi32, #tpu.memory_space<hbm>>
        %dma_start3A_387 = tpu.memref_slice %arg12[%select_n3A_364] : memref<4x!tpu.dma_semaphore, #tpu.memory_space<semaphore_mem>> -> memref<1x!tpu.dma_semaphore, #tpu.memory_space<semaphore_mem>>
        %dma_start3A_388 = tpu.memref_squeeze %dma_start3A_387 : memref<1x!tpu.dma_semaphore, #tpu.memory_space<semaphore_mem>> -> memref<!tpu.dma_semaphore, #tpu.memory_space<semaphore_mem>>
        %dma_start3A_389 = arith.constant 0 : i32
        %dma_start3A_390 = tpu.memref_slice %arg9[%select_n3A_364, %dma_start3A_389] : memref<4x80xi32, #tpu.memory_space<vmem>> -> memref<1x80xi32, #tpu.memory_space<vmem>>
        %dma_start3A_391 = tpu.memref_squeeze %dma_start3A_390 : memref<1x80xi32, #tpu.memory_space<vmem>> -> memref<80xi32, #tpu.memory_space<vmem>>
        %dma_start3A_392 = tpu.memref_slice %arg4[%add3A_369] : memref<160000xi32, #tpu.memory_space<hbm>> -> memref<80xi32, #tpu.memory_space<hbm>>
        tpu.enqueue_dma source(%dma_start3A_392 : memref<80xi32, #tpu.memory_space<hbm>>) target(%dma_start3A_391 : memref<80xi32, #tpu.memory_space<vmem>>) target_semaphore(%dma_start3A_388 : memref<!tpu.dma_semaphore, #tpu.memory_space<semaphore_mem>>)
      } else {
      }
      %ge3A = arith.constant 1 : i32
      %ge3A_286 = arith.cmpi sge, %scan3A_205, %ge3A : i32
      %convert_element_type3A_287 = arith.extui %ge3A_286 : i1 to i32
      %cond3A_288 = arith.constant 0 : i32
      %cond3A_289 = arith.cmpi ne, %convert_element_type3A_287, %cond3A_288 : i32
      scf.if %cond3A_289 {
        %sub3A = arith.constant 1 : i32
        %sub3A_347 = arith.subi %scan3A_205, %sub3A : i32
        %jit3A_348 = arith.constant 2 : i32
        %eq3A_349 = arith.constant 0 : i32
        %eq3A_350 = arith.cmpi eq, %jit3A_348, %eq3A_349 : i32
        %jit3A_351 = arith.constant 1 : i32
        %select_n3A_352 = arith.select %eq3A_350, %jit3A_351, %jit3A_348 : i32
        %rem3A_353 = arith.remsi %sub3A_347, %select_n3A_352 : i32
        %ne3A_354 = arith.constant 0 : i32
        %ne3A_355 = arith.cmpi ne, %rem3A_353, %ne3A_354 : i32
        %lt3A_356 = arith.constant 0 : i32
        %lt3A_357 = arith.cmpi slt, %rem3A_353, %lt3A_356 : i32
        %lt3A_358 = arith.constant 0 : i32
        %lt3A_359 = arith.cmpi slt, %select_n3A_352, %lt3A_358 : i32
        %ne3A_360 = arith.xori %lt3A_357, %lt3A_359 : i1
        %and3A_361 = arith.andi %ne3A_360, %ne3A_355 : i1
        %add3A_362 = arith.addi %rem3A_353, %select_n3A_352 : i32
        %select_n3A_363 = arith.select %and3A_361, %add3A_362, %rem3A_353 : i32
        %jit3A_364 = arith.constant 4 : i32
        %eq3A_365 = arith.constant 0 : i32
        %eq3A_366 = arith.cmpi eq, %jit3A_364, %eq3A_365 : i32
        %jit3A_367 = arith.constant 1 : i32
        %select_n3A_368 = arith.select %eq3A_366, %jit3A_367, %jit3A_364 : i32
        %rem3A_369 = arith.remsi %sub3A_347, %select_n3A_368 : i32
        %ne3A_370 = arith.constant 0 : i32
        %ne3A_371 = arith.cmpi ne, %rem3A_369, %ne3A_370 : i32
        %lt3A_372 = arith.constant 0 : i32
        %lt3A_373 = arith.cmpi slt, %rem3A_369, %lt3A_372 : i32
        %lt3A_374 = arith.constant 0 : i32
        %lt3A_375 = arith.cmpi slt, %select_n3A_368, %lt3A_374 : i32
        %ne3A_376 = arith.xori %lt3A_373, %lt3A_375 : i1
        %and3A_377 = arith.andi %ne3A_376, %ne3A_371 : i1
        %add3A_378 = arith.addi %rem3A_369, %select_n3A_368 : i32
        %select_n3A_379 = arith.select %and3A_377, %add3A_378, %rem3A_369 : i32
        %dma_wait3A_380 = arith.constant 0 : i32
        %dma_wait3A_381 = arith.constant 0 : i32
        %dma_wait3A_382 = tpu.memref_slice %arg11[%select_n3A_363, %dma_wait3A_380, %dma_wait3A_381] : memref<2x80x128xf32, #tpu.memory_space<vmem>> -> memref<1x80x128xf32, #tpu.memory_space<vmem>>
        %dma_wait3A_383 = tpu.memref_squeeze %dma_wait3A_382 : memref<1x80x128xf32, #tpu.memory_space<vmem>> -> memref<80x128xf32, #tpu.memory_space<vmem>>
        %dma_wait3A_384 = arith.constant 0 : i32
        %dma_wait3A_385 = tpu.memref_slice %arg9[%select_n3A_379, %dma_wait3A_384] : memref<4x80xi32, #tpu.memory_space<vmem>> -> memref<1x80xi32, #tpu.memory_space<vmem>>
        %dma_wait3A_386 = tpu.memref_squeeze %dma_wait3A_385 : memref<1x80xi32, #tpu.memory_space<vmem>> -> memref<80xi32, #tpu.memory_space<vmem>>
        %dma_wait3A_387 = arith.constant 0 : i32
        %dma_wait3A_388 = arith.constant 0 : i32
        %dma_wait3A_389 = tpu.memref_slice %arg7[%dma_wait3A_387, %dma_wait3A_388] : memref<10000x128xf32, #tpu.memory_space<vmem_shared>> -> memref<10000x128xf32, #tpu.memory_space<vmem_shared>>
        %dma_wait3A_390 = tpu.memref_slice %arg15[%select_n3A_363] : memref<2x!tpu.dma_semaphore, #tpu.memory_space<semaphore_mem>> -> memref<1x!tpu.dma_semaphore, #tpu.memory_space<semaphore_mem>>
        %dma_wait3A_391 = tpu.memref_squeeze %dma_wait3A_390 : memref<1x!tpu.dma_semaphore, #tpu.memory_space<semaphore_mem>> -> memref<!tpu.dma_semaphore, #tpu.memory_space<semaphore_mem>>
        tpu.wait_indirect_dma semaphore(%dma_wait3A_391 : memref<!tpu.dma_semaphore, #tpu.memory_space<semaphore_mem>>) src(%dma_wait3A_383 : memref<80x128xf32, #tpu.memory_space<vmem>>) dst(%dma_wait3A_389 : memref<10000x128xf32, #tpu.memory_space<vmem_shared>>)
      } else {
      }
      %add3A_290 = arith.constant 1 : i32
      %add3A_291 = arith.addi %scan3A_205, %add3A_290 : i32
      %lt3A_292 = arith.constant 125 : i32
      %lt3A_293 = arith.cmpi slt, %add3A_291, %lt3A_292 : i32
      %convert_element_type3A_294 = arith.extui %lt3A_293 : i1 to i32
      %cond3A_295 = arith.constant 0 : i32
      %cond3A_296 = arith.cmpi ne, %convert_element_type3A_294, %cond3A_295 : i32
      scf.if %cond3A_296 {
        %add3A_347 = arith.constant 1 : i32
        %add3A_348 = arith.addi %scan3A_205, %add3A_347 : i32
        %jit3A_349 = arith.constant 4 : i32
        %eq3A_350 = arith.constant 0 : i32
        %eq3A_351 = arith.cmpi eq, %jit3A_349, %eq3A_350 : i32
        %jit3A_352 = arith.constant 1 : i32
        %select_n3A_353 = arith.select %eq3A_351, %jit3A_352, %jit3A_349 : i32
        %rem3A_354 = arith.remsi %add3A_348, %select_n3A_353 : i32
        %ne3A_355 = arith.constant 0 : i32
        %ne3A_356 = arith.cmpi ne, %rem3A_354, %ne3A_355 : i32
        %lt3A_357 = arith.constant 0 : i32
        %lt3A_358 = arith.cmpi slt, %rem3A_354, %lt3A_357 : i32
        %lt3A_359 = arith.constant 0 : i32
        %lt3A_360 = arith.cmpi slt, %select_n3A_353, %lt3A_359 : i32
        %ne3A_361 = arith.xori %lt3A_358, %lt3A_360 : i1
        %and3A_362 = arith.andi %ne3A_361, %ne3A_356 : i1
        %add3A_363 = arith.addi %rem3A_354, %select_n3A_353 : i32
        %select_n3A_364 = arith.select %and3A_362, %add3A_363, %rem3A_354 : i32
        %mul3A_365 = arith.constant 10000 : i32
        %mul3A_366 = arith.muli %arg1, %mul3A_365 : i32
        %mul3A_367 = arith.constant 80 : i32
        %mul3A_368 = arith.muli %add3A_348, %mul3A_367 : i32
        %add3A_369 = arith.addi %mul3A_366, %mul3A_368 : i32
        %mul3A_370 = arith.constant 160000 : i32
        %mul3A_371 = arith.muli %arg0, %mul3A_370 : i32
        %add3A_372 = arith.addi %mul3A_371, %add3A_369 : i32
        %dma_wait3A_373 = arith.constant 0 : i32
        %dma_wait3A_374 = tpu.memref_slice %arg8[%select_n3A_364, %dma_wait3A_373] : memref<4x80xi32, #tpu.memory_space<vmem>> -> memref<1x80xi32, #tpu.memory_space<vmem>>
        %dma_wait3A_375 = tpu.memref_squeeze %dma_wait3A_374 : memref<1x80xi32, #tpu.memory_space<vmem>> -> memref<80xi32, #tpu.memory_space<vmem>>
        %dma_wait3A_376 = tpu.memref_slice %arg5[%add3A_372] : memref<320000xi32, #tpu.memory_space<hbm>> -> memref<80xi32, #tpu.memory_space<hbm>>
        %dma_wait3A_377 = tpu.memref_slice %arg12[%select_n3A_364] : memref<4x!tpu.dma_semaphore, #tpu.memory_space<semaphore_mem>> -> memref<1x!tpu.dma_semaphore, #tpu.memory_space<semaphore_mem>>
        %dma_wait3A_378 = tpu.memref_squeeze %dma_wait3A_377 : memref<1x!tpu.dma_semaphore, #tpu.memory_space<semaphore_mem>> -> memref<!tpu.dma_semaphore, #tpu.memory_space<semaphore_mem>>
        %dma_wait3A_379 = arith.constant 0 : i32
        %dma_wait3A_380 = tpu.memref_slice %arg8[%select_n3A_364, %dma_wait3A_379] : memref<4x80xi32, #tpu.memory_space<vmem>> -> memref<1x80xi32, #tpu.memory_space<vmem>>
        %dma_wait3A_381 = tpu.memref_squeeze %dma_wait3A_380 : memref<1x80xi32, #tpu.memory_space<vmem>> -> memref<80xi32, #tpu.memory_space<vmem>>
        %dma_wait3A_382 = tpu.memref_slice %arg5[%add3A_372] : memref<320000xi32, #tpu.memory_space<hbm>> -> memref<80xi32, #tpu.memory_space<hbm>>
        tpu.wait_dma2 semaphore(%dma_wait3A_378 : memref<!tpu.dma_semaphore, #tpu.memory_space<semaphore_mem>>) src(%dma_wait3A_382 : memref<80xi32, #tpu.memory_space<hbm>>) dst(%dma_wait3A_381 : memref<80xi32, #tpu.memory_space<vmem>>)
        %dma_wait3A_383 = arith.constant 0 : i32
        %dma_wait3A_384 = tpu.memref_slice %arg9[%select_n3A_364, %dma_wait3A_383] : memref<4x80xi32, #tpu.memory_space<vmem>> -> memref<1x80xi32, #tpu.memory_space<vmem>>
        %dma_wait3A_385 = tpu.memref_squeeze %dma_wait3A_384 : memref<1x80xi32, #tpu.memory_space<vmem>> -> memref<80xi32, #tpu.memory_space<vmem>>
        %dma_wait3A_386 = tpu.memref_slice %arg4[%add3A_369] : memref<160000xi32, #tpu.memory_space<hbm>> -> memref<80xi32, #tpu.memory_space<hbm>>
        %dma_wait3A_387 = tpu.memref_slice %arg12[%select_n3A_364] : memref<4x!tpu.dma_semaphore, #tpu.memory_space<semaphore_mem>> -> memref<1x!tpu.dma_semaphore, #tpu.memory_space<semaphore_mem>>
        %dma_wait3A_388 = tpu.memref_squeeze %dma_wait3A_387 : memref<1x!tpu.dma_semaphore, #tpu.memory_space<semaphore_mem>> -> memref<!tpu.dma_semaphore, #tpu.memory_space<semaphore_mem>>
        %dma_wait3A_389 = arith.constant 0 : i32
        %dma_wait3A_390 = tpu.memref_slice %arg9[%select_n3A_364, %dma_wait3A_389] : memref<4x80xi32, #tpu.memory_space<vmem>> -> memref<1x80xi32, #tpu.memory_space<vmem>>
        %dma_wait3A_391 = tpu.memref_squeeze %dma_wait3A_390 : memref<1x80xi32, #tpu.memory_space<vmem>> -> memref<80xi32, #tpu.memory_space<vmem>>
        %dma_wait3A_392 = tpu.memref_slice %arg4[%add3A_369] : memref<160000xi32, #tpu.memory_space<hbm>> -> memref<80xi32, #tpu.memory_space<hbm>>
        tpu.wait_dma2 semaphore(%dma_wait3A_388 : memref<!tpu.dma_semaphore, #tpu.memory_space<semaphore_mem>>) src(%dma_wait3A_392 : memref<80xi32, #tpu.memory_space<hbm>>) dst(%dma_wait3A_391 : memref<80xi32, #tpu.memory_space<vmem>>)
        %add3A_393 = arith.constant 1 : i32
        %add3A_394 = arith.addi %scan3A_205, %add3A_393 : i32
        %jit3A_395 = arith.constant 2 : i32
        %eq3A_396 = arith.constant 0 : i32
        %eq3A_397 = arith.cmpi eq, %jit3A_395, %eq3A_396 : i32
        %jit3A_398 = arith.constant 1 : i32
        %select_n3A_399 = arith.select %eq3A_397, %jit3A_398, %jit3A_395 : i32
        %rem3A_400 = arith.remsi %add3A_394, %select_n3A_399 : i32
        %ne3A_401 = arith.constant 0 : i32
        %ne3A_402 = arith.cmpi ne, %rem3A_400, %ne3A_401 : i32
        %lt3A_403 = arith.constant 0 : i32
        %lt3A_404 = arith.cmpi slt, %rem3A_400, %lt3A_403 : i32
        %lt3A_405 = arith.constant 0 : i32
        %lt3A_406 = arith.cmpi slt, %select_n3A_399, %lt3A_405 : i32
        %ne3A_407 = arith.xori %lt3A_404, %lt3A_406 : i1
        %and3A_408 = arith.andi %ne3A_407, %ne3A_402 : i1
        %add3A_409 = arith.addi %rem3A_400, %select_n3A_399 : i32
        %select_n3A_410 = arith.select %and3A_408, %add3A_409, %rem3A_400 : i32
        %jit3A_411 = arith.constant 4 : i32
        %eq3A_412 = arith.constant 0 : i32
        %eq3A_413 = arith.cmpi eq, %jit3A_411, %eq3A_412 : i32
        %jit3A_414 = arith.constant 1 : i32
        %select_n3A_415 = arith.select %eq3A_413, %jit3A_414, %jit3A_411 : i32
        %rem3A_416 = arith.remsi %add3A_394, %select_n3A_415 : i32
        %ne3A_417 = arith.constant 0 : i32
        %ne3A_418 = arith.cmpi ne, %rem3A_416, %ne3A_417 : i32
        %lt3A_419 = arith.constant 0 : i32
        %lt3A_420 = arith.cmpi slt, %rem3A_416, %lt3A_419 : i32
        %lt3A_421 = arith.constant 0 : i32
        %lt3A_422 = arith.cmpi slt, %select_n3A_415, %lt3A_421 : i32
        %ne3A_423 = arith.xori %lt3A_420, %lt3A_422 : i1
        %and3A_424 = arith.andi %ne3A_423, %ne3A_418 : i1
        %add3A_425 = arith.addi %rem3A_416, %select_n3A_415 : i32
        %select_n3A_426 = arith.select %and3A_424, %add3A_425, %rem3A_416 : i32
        %mul3A_427 = arith.constant 10000 : i32
        %mul3A_428 = arith.muli %arg1, %mul3A_427 : i32
        %mul3A_429 = arith.constant 80 : i32
        %mul3A_430 = arith.muli %add3A_394, %mul3A_429 : i32
        %add3A_431 = arith.addi %mul3A_428, %mul3A_430 : i32
        %mul3A_432 = arith.constant 128 : i32
        %mul3A_433 = arith.muli %arg0, %mul3A_432 : i32
        %dma_start3A_434 = arith.constant 0 : i32
        %dma_start3A_435 = arith.constant 0 : i32
        %dma_start3A_436 = tpu.memref_slice %arg10[%select_n3A_410, %dma_start3A_434, %dma_start3A_435] : memref<2x80x128xf32, #tpu.memory_space<vmem>> -> memref<1x80x128xf32, #tpu.memory_space<vmem>>
        %dma_start3A_437 = tpu.memref_squeeze %dma_start3A_436 : memref<1x80x128xf32, #tpu.memory_space<vmem>> -> memref<80x128xf32, #tpu.memory_space<vmem>>
        %dma_start3A_438 = arith.constant 0 : i32
        %dma_start3A_439 = tpu.memref_slice %arg8[%select_n3A_426, %dma_start3A_438] : memref<4x80xi32, #tpu.memory_space<vmem>> -> memref<1x80xi32, #tpu.memory_space<vmem>>
        %dma_start3A_440 = tpu.memref_squeeze %dma_start3A_439 : memref<1x80xi32, #tpu.memory_space<vmem>> -> memref<80xi32, #tpu.memory_space<vmem>>
        %dma_start3A_441 = arith.constant 0 : i32
        %dma_start3A_442 = arith.constant 0 : i32
        %dma_start3A_443 = tpu.memref_slice %arg2[%dma_start3A_441, %dma_start3A_442] : memref<20000x128xf32, #tpu.memory_space<hbm>> -> memref<20000x128xf32, #tpu.memory_space<hbm>>
        %dma_start3A_444 = tpu.memref_slice %arg13[%select_n3A_410] : memref<2x!tpu.dma_semaphore, #tpu.memory_space<semaphore_mem>> -> memref<1x!tpu.dma_semaphore, #tpu.memory_space<semaphore_mem>>
        %dma_start3A_445 = tpu.memref_squeeze %dma_start3A_444 : memref<1x!tpu.dma_semaphore, #tpu.memory_space<semaphore_mem>> -> memref<!tpu.dma_semaphore, #tpu.memory_space<semaphore_mem>>
        tpu.enqueue_indirect_dma source(%dma_start3A_443 : memref<20000x128xf32, #tpu.memory_space<hbm>>) target(%dma_start3A_437 : memref<80x128xf32, #tpu.memory_space<vmem>>) offsets(%dma_start3A_440 : memref<80xi32, #tpu.memory_space<vmem>>) semaphore(%dma_start3A_445 : memref<!tpu.dma_semaphore, #tpu.memory_space<semaphore_mem>>)
        %dma_start3A_446 = arith.constant 0 : i32
        %dma_start3A_447 = arith.constant 0 : i32
        %dma_start3A_448 = tpu.memref_slice %arg11[%select_n3A_410, %dma_start3A_446, %dma_start3A_447] : memref<2x80x128xf32, #tpu.memory_space<vmem>> -> memref<1x80x128xf32, #tpu.memory_space<vmem>>
        %dma_start3A_449 = tpu.memref_squeeze %dma_start3A_448 : memref<1x80x128xf32, #tpu.memory_space<vmem>> -> memref<80x128xf32, #tpu.memory_space<vmem>>
        %dma_start3A_450 = tpu.memref_slice %arg3[%add3A_431, %mul3A_433] : memref<160000x256xf32, #tpu.memory_space<hbm>> -> memref<80x128xf32, #tpu.memory_space<hbm>>
        %dma_start3A_451 = tpu.memref_slice %arg14[%select_n3A_410] : memref<2x!tpu.dma_semaphore, #tpu.memory_space<semaphore_mem>> -> memref<1x!tpu.dma_semaphore, #tpu.memory_space<semaphore_mem>>
        %dma_start3A_452 = tpu.memref_squeeze %dma_start3A_451 : memref<1x!tpu.dma_semaphore, #tpu.memory_space<semaphore_mem>> -> memref<!tpu.dma_semaphore, #tpu.memory_space<semaphore_mem>>
        %dma_start3A_453 = arith.constant 0 : i32
        %dma_start3A_454 = arith.constant 0 : i32
        %dma_start3A_455 = tpu.memref_slice %arg11[%select_n3A_410, %dma_start3A_453, %dma_start3A_454] : memref<2x80x128xf32, #tpu.memory_space<vmem>> -> memref<1x80x128xf32, #tpu.memory_space<vmem>>
        %dma_start3A_456 = tpu.memref_squeeze %dma_start3A_455 : memref<1x80x128xf32, #tpu.memory_space<vmem>> -> memref<80x128xf32, #tpu.memory_space<vmem>>
        %dma_start3A_457 = tpu.memref_slice %arg3[%add3A_431, %mul3A_433] : memref<160000x256xf32, #tpu.memory_space<hbm>> -> memref<80x128xf32, #tpu.memory_space<hbm>>
        tpu.enqueue_dma source(%dma_start3A_457 : memref<80x128xf32, #tpu.memory_space<hbm>>) target(%dma_start3A_456 : memref<80x128xf32, #tpu.memory_space<vmem>>) target_semaphore(%dma_start3A_452 : memref<!tpu.dma_semaphore, #tpu.memory_space<semaphore_mem>>)
      } else {
      }
      %scan3A_297 = arith.constant 0 : i32
      %scan3A_298 = arith.constant 0 : i32
      %scan3A_299 = arith.constant 80 : i32
      %scan3A_300 = arith.addi %scan3A_298, %scan3A_299 : i32
      %scan3A_301 = arith.constant 1 : i32
      scf.for %scan3A_347 = %scan3A_298 to %scan3A_300 step %scan3A_301  : i32 {
        %get3A = arith.index_cast %select_n3A_215 : i32 to index
        %get3A_348 = arith.index_cast %scan3A_347 : i32 to index
        %get3A_349 = arith.constant 0 : index
        %get3A_350 = tpu.vector_load %arg11[%get3A, %get3A_348, %get3A_349] {strides = array<i32>} : memref<2x80x128xf32, #tpu.memory_space<vmem>>, vector<1x1x16xf32>,
        %get3A_351 = vector.shape_cast %get3A_350 : vector<1x1x16xf32> to vector<16xf32>
        %get3A_352 = arith.index_cast %select_n3A_215 : i32 to index
        %get3A_353 = arith.index_cast %scan3A_347 : i32 to index
        %get3A_354 = arith.constant 0 : index
        %get3A_355 = tpu.vector_load %arg10[%get3A_352, %get3A_353, %get3A_354] {strides = array<i32>} : memref<2x80x128xf32, #tpu.memory_space<vmem>>, vector<1x1x16xf32>,
        %get3A_356 = vector.shape_cast %get3A_355 : vector<1x1x16xf32> to vector<16xf32>
        %mul3A_357 = arith.mulf %get3A_351, %get3A_356 : vector<16xf32>
        %swap3A = arith.index_cast %select_n3A_215 : i32 to index
        %swap3A_358 = arith.index_cast %scan3A_347 : i32 to index
        %swap3A_359 = arith.constant 0 : index
        %swap3A_360 = tpu.vector_load %arg11[%swap3A, %swap3A_358, %swap3A_359] {strides = array<i32>} : memref<2x80x128xf32, #tpu.memory_space<vmem>>, vector<1x1x16xf32>,
        %swap3A_361 = vector.shape_cast %swap3A_360 : vector<1x1x16xf32> to vector<16xf32>
        %swap3A_362 = vector.shape_cast %mul3A_357 : vector<16xf32> to vector<1x1x16xf32>
        tpu.vector_store %arg11[%swap3A, %swap3A_358, %swap3A_359], %swap3A_362 {strides = array<i32>} : memref<2x80x128xf32, #tpu.memory_space<vmem>>, vector<1x1x16xf32>,
        %get3A_363 = arith.index_cast %select_n3A_215 : i32 to index
        %get3A_364 = arith.index_cast %scan3A_347 : i32 to index
        %get3A_365 = arith.constant 16 : index
        %get3A_366 = tpu.vector_load %arg11[%get3A_363, %get3A_364, %get3A_365] {strides = array<i32>} : memref<2x80x128xf32, #tpu.memory_space<vmem>>, vector<1x1x16xf32>,
        %get3A_367 = vector.shape_cast %get3A_366 : vector<1x1x16xf32> to vector<16xf32>
        %get3A_368 = arith.index_cast %select_n3A_215 : i32 to index
        %get3A_369 = arith.index_cast %scan3A_347 : i32 to index
        %get3A_370 = arith.constant 16 : index
        %get3A_371 = tpu.vector_load %arg10[%get3A_368, %get3A_369, %get3A_370] {strides = array<i32>} : memref<2x80x128xf32, #tpu.memory_space<vmem>>, vector<1x1x16xf32>,
        %get3A_372 = vector.shape_cast %get3A_371 : vector<1x1x16xf32> to vector<16xf32>
        %mul3A_373 = arith.mulf %get3A_367, %get3A_372 : vector<16xf32>
        %swap3A_374 = arith.index_cast %select_n3A_215 : i32 to index
        %swap3A_375 = arith.index_cast %scan3A_347 : i32 to index
        %swap3A_376 = arith.constant 16 : index
        %swap3A_377 = tpu.vector_load %arg11[%swap3A_374, %swap3A_375, %swap3A_376] {strides = array<i32>} : memref<2x80x128xf32, #tpu.memory_space<vmem>>, vector<1x1x16xf32>,
        %swap3A_378 = vector.shape_cast %swap3A_377 : vector<1x1x16xf32> to vector<16xf32>
        %swap3A_379 = vector.shape_cast %mul3A_373 : vector<16xf32> to vector<1x1x16xf32>
        tpu.vector_store %arg11[%swap3A_374, %swap3A_375, %swap3A_376], %swap3A_379 {strides = array<i32>} : memref<2x80x128xf32, #tpu.memory_space<vmem>>, vector<1x1x16xf32>,
        %get3A_380 = arith.index_cast %select_n3A_215 : i32 to index
        %get3A_381 = arith.index_cast %scan3A_347 : i32 to index
        %get3A_382 = arith.constant 32 : index
        %get3A_383 = tpu.vector_load %arg11[%get3A_380, %get3A_381, %get3A_382] {strides = array<i32>} : memref<2x80x128xf32, #tpu.memory_space<vmem>>, vector<1x1x16xf32>,
        %get3A_384 = vector.shape_cast %get3A_383 : vector<1x1x16xf32> to vector<16xf32>
        %get3A_385 = arith.index_cast %select_n3A_215 : i32 to index
        %get3A_386 = arith.index_cast %scan3A_347 : i32 to index
        %get3A_387 = arith.constant 32 : index
        %get3A_388 = tpu.vector_load %arg10[%get3A_385, %get3A_386, %get3A_387] {strides = array<i32>} : memref<2x80x128xf32, #tpu.memory_space<vmem>>, vector<1x1x16xf32>,
        %get3A_389 = vector.shape_cast %get3A_388 : vector<1x1x16xf32> to vector<16xf32>
        %mul3A_390 = arith.mulf %get3A_384, %get3A_389 : vector<16xf32>
        %swap3A_391 = arith.index_cast %select_n3A_215 : i32 to index
        %swap3A_392 = arith.index_cast %scan3A_347 : i32 to index
        %swap3A_393 = arith.constant 32 : index
        %swap3A_394 = tpu.vector_load %arg11[%swap3A_391, %swap3A_392, %swap3A_393] {strides = array<i32>} : memref<2x80x128xf32, #tpu.memory_space<vmem>>, vector<1x1x16xf32>,
        %swap3A_395 = vector.shape_cast %swap3A_394 : vector<1x1x16xf32> to vector<16xf32>
        %swap3A_396 = vector.shape_cast %mul3A_390 : vector<16xf32> to vector<1x1x16xf32>
        tpu.vector_store %arg11[%swap3A_391, %swap3A_392, %swap3A_393], %swap3A_396 {strides = array<i32>} : memref<2x80x128xf32, #tpu.memory_space<vmem>>, vector<1x1x16xf32>,
        %get3A_397 = arith.index_cast %select_n3A_215 : i32 to index
        %get3A_398 = arith.index_cast %scan3A_347 : i32 to index
        %get3A_399 = arith.constant 48 : index
        %get3A_400 = tpu.vector_load %arg11[%get3A_397, %get3A_398, %get3A_399] {strides = array<i32>} : memref<2x80x128xf32, #tpu.memory_space<vmem>>, vector<1x1x16xf32>,
        %get3A_401 = vector.shape_cast %get3A_400 : vector<1x1x16xf32> to vector<16xf32>
        %get3A_402 = arith.index_cast %select_n3A_215 : i32 to index
        %get3A_403 = arith.index_cast %scan3A_347 : i32 to index
        %get3A_404 = arith.constant 48 : index
        %get3A_405 = tpu.vector_load %arg10[%get3A_402, %get3A_403, %get3A_404] {strides = array<i32>} : memref<2x80x128xf32, #tpu.memory_space<vmem>>, vector<1x1x16xf32>,
        %get3A_406 = vector.shape_cast %get3A_405 : vector<1x1x16xf32> to vector<16xf32>
        %mul3A_407 = arith.mulf %get3A_401, %get3A_406 : vector<16xf32>
        %swap3A_408 = arith.index_cast %select_n3A_215 : i32 to index
        %swap3A_409 = arith.index_cast %scan3A_347 : i32 to index
        %swap3A_410 = arith.constant 48 : index
        %swap3A_411 = tpu.vector_load %arg11[%swap3A_408, %swap3A_409, %swap3A_410] {strides = array<i32>} : memref<2x80x128xf32, #tpu.memory_space<vmem>>, vector<1x1x16xf32>,
        %swap3A_412 = vector.shape_cast %swap3A_411 : vector<1x1x16xf32> to vector<16xf32>
        %swap3A_413 = vector.shape_cast %mul3A_407 : vector<16xf32> to vector<1x1x16xf32>
        tpu.vector_store %arg11[%swap3A_408, %swap3A_409, %swap3A_410], %swap3A_413 {strides = array<i32>} : memref<2x80x128xf32, #tpu.memory_space<vmem>>, vector<1x1x16xf32>,
        %get3A_414 = arith.index_cast %select_n3A_215 : i32 to index
        %get3A_415 = arith.index_cast %scan3A_347 : i32 to index
        %get3A_416 = arith.constant 64 : index
        %get3A_417 = tpu.vector_load %arg11[%get3A_414, %get3A_415, %get3A_416] {strides = array<i32>} : memref<2x80x128xf32, #tpu.memory_space<vmem>>, vector<1x1x16xf32>,
        %get3A_418 = vector.shape_cast %get3A_417 : vector<1x1x16xf32> to vector<16xf32>
        %get3A_419 = arith.index_cast %select_n3A_215 : i32 to index
        %get3A_420 = arith.index_cast %scan3A_347 : i32 to index
        %get3A_421 = arith.constant 64 : index
        %get3A_422 = tpu.vector_load %arg10[%get3A_419, %get3A_420, %get3A_421] {strides = array<i32>} : memref<2x80x128xf32, #tpu.memory_space<vmem>>, vector<1x1x16xf32>,
        %get3A_423 = vector.shape_cast %get3A_422 : vector<1x1x16xf32> to vector<16xf32>
        %mul3A_424 = arith.mulf %get3A_418, %get3A_423 : vector<16xf32>
        %swap3A_425 = arith.index_cast %select_n3A_215 : i32 to index
        %swap3A_426 = arith.index_cast %scan3A_347 : i32 to index
        %swap3A_427 = arith.constant 64 : index
        %swap3A_428 = tpu.vector_load %arg11[%swap3A_425, %swap3A_426, %swap3A_427] {strides = array<i32>} : memref<2x80x128xf32, #tpu.memory_space<vmem>>, vector<1x1x16xf32>,
        %swap3A_429 = vector.shape_cast %swap3A_428 : vector<1x1x16xf32> to vector<16xf32>
        %swap3A_430 = vector.shape_cast %mul3A_424 : vector<16xf32> to vector<1x1x16xf32>
        tpu.vector_store %arg11[%swap3A_425, %swap3A_426, %swap3A_427], %swap3A_430 {strides = array<i32>} : memref<2x80x128xf32, #tpu.memory_space<vmem>>, vector<1x1x16xf32>,
        %get3A_431 = arith.index_cast %select_n3A_215 : i32 to index
        %get3A_432 = arith.index_cast %scan3A_347 : i32 to index
        %get3A_433 = arith.constant 80 : index
        %get3A_434 = tpu.vector_load %arg11[%get3A_431, %get3A_432, %get3A_433] {strides = array<i32>} : memref<2x80x128xf32, #tpu.memory_space<vmem>>, vector<1x1x16xf32>,
        %get3A_435 = vector.shape_cast %get3A_434 : vector<1x1x16xf32> to vector<16xf32>
        %get3A_436 = arith.index_cast %select_n3A_215 : i32 to index
        %get3A_437 = arith.index_cast %scan3A_347 : i32 to index
        %get3A_438 = arith.constant 80 : index
        %get3A_439 = tpu.vector_load %arg10[%get3A_436, %get3A_437, %get3A_438] {strides = array<i32>} : memref<2x80x128xf32, #tpu.memory_space<vmem>>, vector<1x1x16xf32>,
        %get3A_440 = vector.shape_cast %get3A_439 : vector<1x1x16xf32> to vector<16xf32>
        %mul3A_441 = arith.mulf %get3A_435, %get3A_440 : vector<16xf32>
        %swap3A_442 = arith.index_cast %select_n3A_215 : i32 to index
        %swap3A_443 = arith.index_cast %scan3A_347 : i32 to index
        %swap3A_444 = arith.constant 80 : index
        %swap3A_445 = tpu.vector_load %arg11[%swap3A_442, %swap3A_443, %swap3A_444] {strides = array<i32>} : memref<2x80x128xf32, #tpu.memory_space<vmem>>, vector<1x1x16xf32>,
        %swap3A_446 = vector.shape_cast %swap3A_445 : vector<1x1x16xf32> to vector<16xf32>
        %swap3A_447 = vector.shape_cast %mul3A_441 : vector<16xf32> to vector<1x1x16xf32>
        tpu.vector_store %arg11[%swap3A_442, %swap3A_443, %swap3A_444], %swap3A_447 {strides = array<i32>} : memref<2x80x128xf32, #tpu.memory_space<vmem>>, vector<1x1x16xf32>,
        %get3A_448 = arith.index_cast %select_n3A_215 : i32 to index
        %get3A_449 = arith.index_cast %scan3A_347 : i32 to index
        %get3A_450 = arith.constant 96 : index
        %get3A_451 = tpu.vector_load %arg11[%get3A_448, %get3A_449, %get3A_450] {strides = array<i32>} : memref<2x80x128xf32, #tpu.memory_space<vmem>>, vector<1x1x16xf32>,
        %get3A_452 = vector.shape_cast %get3A_451 : vector<1x1x16xf32> to vector<16xf32>
        %get3A_453 = arith.index_cast %select_n3A_215 : i32 to index
        %get3A_454 = arith.index_cast %scan3A_347 : i32 to index
        %get3A_455 = arith.constant 96 : index
        %get3A_456 = tpu.vector_load %arg10[%get3A_453, %get3A_454, %get3A_455] {strides = array<i32>} : memref<2x80x128xf32, #tpu.memory_space<vmem>>, vector<1x1x16xf32>,
        %get3A_457 = vector.shape_cast %get3A_456 : vector<1x1x16xf32> to vector<16xf32>
        %mul3A_458 = arith.mulf %get3A_452, %get3A_457 : vector<16xf32>
        %swap3A_459 = arith.index_cast %select_n3A_215 : i32 to index
        %swap3A_460 = arith.index_cast %scan3A_347 : i32 to index
        %swap3A_461 = arith.constant 96 : index
        %swap3A_462 = tpu.vector_load %arg11[%swap3A_459, %swap3A_460, %swap3A_461] {strides = array<i32>} : memref<2x80x128xf32, #tpu.memory_space<vmem>>, vector<1x1x16xf32>,
        %swap3A_463 = vector.shape_cast %swap3A_462 : vector<1x1x16xf32> to vector<16xf32>
        %swap3A_464 = vector.shape_cast %mul3A_458 : vector<16xf32> to vector<1x1x16xf32>
        tpu.vector_store %arg11[%swap3A_459, %swap3A_460, %swap3A_461], %swap3A_464 {strides = array<i32>} : memref<2x80x128xf32, #tpu.memory_space<vmem>>, vector<1x1x16xf32>,
        %get3A_465 = arith.index_cast %select_n3A_215 : i32 to index
        %get3A_466 = arith.index_cast %scan3A_347 : i32 to index
        %get3A_467 = arith.constant 112 : index
        %get3A_468 = tpu.vector_load %arg11[%get3A_465, %get3A_466, %get3A_467] {strides = array<i32>} : memref<2x80x128xf32, #tpu.memory_space<vmem>>, vector<1x1x16xf32>,
        %get3A_469 = vector.shape_cast %get3A_468 : vector<1x1x16xf32> to vector<16xf32>
        %get3A_470 = arith.index_cast %select_n3A_215 : i32 to index
        %get3A_471 = arith.index_cast %scan3A_347 : i32 to index
        %get3A_472 = arith.constant 112 : index
        %get3A_473 = tpu.vector_load %arg10[%get3A_470, %get3A_471, %get3A_472] {strides = array<i32>} : memref<2x80x128xf32, #tpu.memory_space<vmem>>, vector<1x1x16xf32>,
        %get3A_474 = vector.shape_cast %get3A_473 : vector<1x1x16xf32> to vector<16xf32>
        %mul3A_475 = arith.mulf %get3A_469, %get3A_474 : vector<16xf32>
        %swap3A_476 = arith.index_cast %select_n3A_215 : i32 to index
        %swap3A_477 = arith.index_cast %scan3A_347 : i32 to index
        %swap3A_478 = arith.constant 112 : index
        %swap3A_479 = tpu.vector_load %arg11[%swap3A_476, %swap3A_477, %swap3A_478] {strides = array<i32>} : memref<2x80x128xf32, #tpu.memory_space<vmem>>, vector<1x1x16xf32>,
        %swap3A_480 = vector.shape_cast %swap3A_479 : vector<1x1x16xf32> to vector<16xf32>
        %swap3A_481 = vector.shape_cast %mul3A_475 : vector<16xf32> to vector<1x1x16xf32>
        tpu.vector_store %arg11[%swap3A_476, %swap3A_477, %swap3A_478], %swap3A_481 {strides = array<i32>} : memref<2x80x128xf32, #tpu.memory_space<vmem>>, vector<1x1x16xf32>,
      }
      %scan3A_302 = arith.constant 80 : i32
      %jit3A_303 = arith.constant 2 : i32
      %eq3A_304 = arith.constant 0 : i32
      %eq3A_305 = arith.cmpi eq, %jit3A_303, %eq3A_304 : i32
      %jit3A_306 = arith.constant 1 : i32
      %select_n3A_307 = arith.select %eq3A_305, %jit3A_306, %jit3A_303 : i32
      %rem3A_308 = arith.remsi %scan3A_205, %select_n3A_307 : i32
      %ne3A_309 = arith.constant 0 : i32
      %ne3A_310 = arith.cmpi ne, %rem3A_308, %ne3A_309 : i32
      %lt3A_311 = arith.constant 0 : i32
      %lt3A_312 = arith.cmpi slt, %rem3A_308, %lt3A_311 : i32
      %lt3A_313 = arith.constant 0 : i32
      %lt3A_314 = arith.cmpi slt, %select_n3A_307, %lt3A_313 : i32
      %ne3A_315 = arith.xori %lt3A_312, %lt3A_314 : i1
      %and3A_316 = arith.andi %ne3A_315, %ne3A_310 : i1
      %add3A_317 = arith.addi %rem3A_308, %select_n3A_307 : i32
      %select_n3A_318 = arith.select %and3A_316, %add3A_317, %rem3A_308 : i32
      %jit3A_319 = arith.constant 4 : i32
      %eq3A_320 = arith.constant 0 : i32
      %eq3A_321 = arith.cmpi eq, %jit3A_319, %eq3A_320 : i32
      %jit3A_322 = arith.constant 1 : i32
      %select_n3A_323 = arith.select %eq3A_321, %jit3A_322, %jit3A_319 : i32
      %rem3A_324 = arith.remsi %scan3A_205, %select_n3A_323 : i32
      %ne3A_325 = arith.constant 0 : i32
      %ne3A_326 = arith.cmpi ne, %rem3A_324, %ne3A_325 : i32
      %lt3A_327 = arith.constant 0 : i32
      %lt3A_328 = arith.cmpi slt, %rem3A_324, %lt3A_327 : i32
      %lt3A_329 = arith.constant 0 : i32
      %lt3A_330 = arith.cmpi slt, %select_n3A_323, %lt3A_329 : i32
      %ne3A_331 = arith.xori %lt3A_328, %lt3A_330 : i1
      %and3A_332 = arith.andi %ne3A_331, %ne3A_326 : i1
      %add3A_333 = arith.addi %rem3A_324, %select_n3A_323 : i32
      %select_n3A_334 = arith.select %and3A_332, %add3A_333, %rem3A_324 : i32
      %dma_start3A_335 = arith.constant 0 : i32
      %dma_start3A_336 = arith.constant 0 : i32
      %dma_start3A_337 = tpu.memref_slice %arg11[%select_n3A_318, %dma_start3A_335, %dma_start3A_336] : memref<2x80x128xf32, #tpu.memory_space<vmem>> -> memref<1x80x128xf32, #tpu.memory_space<vmem>>
      %dma_start3A_338 = tpu.memref_squeeze %dma_start3A_337 : memref<1x80x128xf32, #tpu.memory_space<vmem>> -> memref<80x128xf32, #tpu.memory_space<vmem>>
      %dma_start3A_339 = arith.constant 0 : i32
      %dma_start3A_340 = tpu.memref_slice %arg9[%select_n3A_334, %dma_start3A_339] : memref<4x80xi32, #tpu.memory_space<vmem>> -> memref<1x80xi32, #tpu.memory_space<vmem>>
      %dma_start3A_341 = tpu.memref_squeeze %dma_start3A_340 : memref<1x80xi32, #tpu.memory_space<vmem>> -> memref<80xi32, #tpu.memory_space<vmem>>
      %dma_start3A_342 = arith.constant 0 : i32
      %dma_start3A_343 = arith.constant 0 : i32
      %dma_start3A_344 = tpu.memref_slice %arg7[%dma_start3A_342, %dma_start3A_343] : memref<10000x128xf32, #tpu.memory_space<vmem_shared>> -> memref<10000x128xf32, #tpu.memory_space<vmem_shared>>
      %dma_start3A_345 = tpu.memref_slice %arg15[%select_n3A_318] : memref<2x!tpu.dma_semaphore, #tpu.memory_space<semaphore_mem>> -> memref<1x!tpu.dma_semaphore, #tpu.memory_space<semaphore_mem>>
      %dma_start3A_346 = tpu.memref_squeeze %dma_start3A_345 : memref<1x!tpu.dma_semaphore, #tpu.memory_space<semaphore_mem>> -> memref<!tpu.dma_semaphore, #tpu.memory_space<semaphore_mem>>
      tpu.enqueue_indirect_dma source(%dma_start3A_338 : memref<80x128xf32, #tpu.memory_space<vmem>>) target(%dma_start3A_344 : memref<10000x128xf32, #tpu.memory_space<vmem_shared>>) offsets(%dma_start3A_341 : memref<80xi32, #tpu.memory_space<vmem>>) semaphore(%dma_start3A_346 : memref<!tpu.dma_semaphore, #tpu.memory_space<semaphore_mem>>) {add = true}
    }
    %scan3A_176 = arith.constant 125 : i32
    %dma_wait3A_177 = arith.constant 0 : i32
    %dma_wait3A_178 = arith.constant 0 : i32
    %dma_wait3A_179 = arith.constant 0 : i32
    %dma_wait3A_180 = arith.constant 0 : i32
    %dma_wait3A_181 = arith.constant 0 : i32
    %dma_wait3A_182 = tpu.memref_slice %arg11[%dma_wait3A_177, %dma_wait3A_180, %dma_wait3A_181] : memref<2x80x128xf32, #tpu.memory_space<vmem>> -> memref<1x80x128xf32, #tpu.memory_space<vmem>>
    %dma_wait3A_183 = tpu.memref_squeeze %dma_wait3A_182 : memref<1x80x128xf32, #tpu.memory_space<vmem>> -> memref<80x128xf32, #tpu.memory_space<vmem>>
    %dma_wait3A_184 = arith.constant 0 : i32
    %dma_wait3A_185 = tpu.memref_slice %arg9[%dma_wait3A_178, %dma_wait3A_184] : memref<4x80xi32, #tpu.memory_space<vmem>> -> memref<1x80xi32, #tpu.memory_space<vmem>>
    %dma_wait3A_186 = tpu.memref_squeeze %dma_wait3A_185 : memref<1x80xi32, #tpu.memory_space<vmem>> -> memref<80xi32, #tpu.memory_space<vmem>>
    %dma_wait3A_187 = arith.constant 0 : i32
    %dma_wait3A_188 = arith.constant 0 : i32
    %dma_wait3A_189 = tpu.memref_slice %arg7[%dma_wait3A_187, %dma_wait3A_188] : memref<10000x128xf32, #tpu.memory_space<vmem_shared>> -> memref<10000x128xf32, #tpu.memory_space<vmem_shared>>
    %dma_wait3A_190 = tpu.memref_slice %arg15[%dma_wait3A_179] : memref<2x!tpu.dma_semaphore, #tpu.memory_space<semaphore_mem>> -> memref<1x!tpu.dma_semaphore, #tpu.memory_space<semaphore_mem>>
    %dma_wait3A_191 = tpu.memref_squeeze %dma_wait3A_190 : memref<1x!tpu.dma_semaphore, #tpu.memory_space<semaphore_mem>> -> memref<!tpu.dma_semaphore, #tpu.memory_space<semaphore_mem>>
    tpu.wait_indirect_dma semaphore(%dma_wait3A_191 : memref<!tpu.dma_semaphore, #tpu.memory_space<semaphore_mem>>) src(%dma_wait3A_183 : memref<80x128xf32, #tpu.memory_space<vmem>>) dst(%dma_wait3A_189 : memref<10000x128xf32, #tpu.memory_space<vmem_shared>>)
    %barrier3A_192 = arith.constant 0 : index
    tpu.barrier barrier_id(%barrier3A_192)
    %mul3A_193 = arith.constant 624 : i32
    %mul3A_194 = arith.muli %arg1, %mul3A_193 : i32
    %mul3A_195 = arith.constant 10000 : i32
    %mul3A_196 = arith.muli %arg0, %mul3A_195 : i32
    %mul3A_197 = arith.constant 624 : i32
    %mul3A_198 = arith.muli %arg1, %mul3A_197 : i32
    %add3A_199 = arith.addi %mul3A_196, %mul3A_198 : i32
    "tpu.region"() ({
      %run_scoped3A_205 = tpu.sem_alloc : memref<!tpu.dma_semaphore, #tpu.memory_space<semaphore_mem>>
      %dma_start3A_206 = arith.constant 0 : i32
      %dma_start3A_207 = tpu.memref_slice %arg6[%add3A_199, %dma_start3A_206] : memref<20000x128xf32, #tpu.memory_space<hbm>> -> memref<624x128xf32, #tpu.memory_space<hbm>>
      %dma_start3A_208 = arith.constant 0 : i32
      %dma_start3A_209 = tpu.memref_slice %arg7[%mul3A_194, %dma_start3A_208] : memref<10000x128xf32, #tpu.memory_space<vmem_shared>> -> memref<624x128xf32, #tpu.memory_space<vmem_shared>>
      tpu.enqueue_dma source(%dma_start3A_209 : memref<624x128xf32, #tpu.memory_space<vmem_shared>>) target(%dma_start3A_207 : memref<624x128xf32, #tpu.memory_space<hbm>>) target_semaphore(%run_scoped3A_205 : memref<!tpu.dma_semaphore, #tpu.memory_space<semaphore_mem>>)
      %dma_wait3A_210 = arith.constant 0 : i32
      %dma_wait3A_211 = tpu.memref_slice %arg6[%add3A_199, %dma_wait3A_210] : memref<20000x128xf32, #tpu.memory_space<hbm>> -> memref<624x128xf32, #tpu.memory_space<hbm>>
      %dma_wait3A_212 = arith.constant 0 : i32
      %dma_wait3A_213 = tpu.memref_slice %arg7[%mul3A_194, %dma_wait3A_212] : memref<10000x128xf32, #tpu.memory_space<vmem_shared>> -> memref<624x128xf32, #tpu.memory_space<vmem_shared>>
      tpu.wait_dma2 semaphore(%run_scoped3A_205 : memref<!tpu.dma_semaphore, #tpu.memory_space<semaphore_mem>>) src(%dma_wait3A_213 : memref<624x128xf32, #tpu.memory_space<vmem_shared>>) dst(%dma_wait3A_211 : memref<624x128xf32, #tpu.memory_space<hbm>>)
      tpu.yield
    }) : () -> ()
    %eq3A_200 = arith.constant 0 : i32
    %eq3A_201 = arith.cmpi eq, %arg1, %eq3A_200 : i32
    %convert_element_type3A_202 = arith.extui %eq3A_201 : i1 to i32
    %cond3A_203 = arith.constant 0 : i32
    %cond3A_204 = arith.cmpi ne, %convert_element_type3A_202, %cond3A_203 : i32
    scf.if %cond3A_204 {
      %mul3A_205 = arith.constant 10000 : i32
      %mul3A_206 = arith.muli %arg0, %mul3A_205 : i32
      %add3A_207 = arith.constant 9984 : i32
      %add3A_208 = arith.addi %mul3A_206, %add3A_207 : i32
      "tpu.region"() ({
        %run_scoped3A_209 = tpu.sem_alloc : memref<!tpu.dma_semaphore, #tpu.memory_space<semaphore_mem>>
        %dma_start3A_210 = arith.constant 0 : i32
        %dma_start3A_211 = tpu.memref_slice %arg6[%add3A_208, %dma_start3A_210] : memref<20000x128xf32, #tpu.memory_space<hbm>> -> memref<16x128xf32, #tpu.memory_space<hbm>>
        %dma_start3A_212 = arith.constant 9984 : i32
        %dma_start3A_213 = arith.constant 0 : i32
        %dma_start3A_214 = tpu.memref_slice %arg7[%dma_start3A_212, %dma_start3A_213] : memref<10000x128xf32, #tpu.memory_space<vmem_shared>> -> memref<16x128xf32, #tpu.memory_space<vmem_shared>>
        tpu.enqueue_dma source(%dma_start3A_214 : memref<16x128xf32, #tpu.memory_space<vmem_shared>>) target(%dma_start3A_211 : memref<16x128xf32, #tpu.memory_space<hbm>>) target_semaphore(%run_scoped3A_209 : memref<!tpu.dma_semaphore, #tpu.memory_space<semaphore_mem>>)
        %dma_wait3A_215 = arith.constant 0 : i32
        %dma_wait3A_216 = tpu.memref_slice %arg6[%add3A_208, %dma_wait3A_215] : memref<20000x128xf32, #tpu.memory_space<hbm>> -> memref<16x128xf32, #tpu.memory_space<hbm>>
        %dma_wait3A_217 = arith.constant 9984 : i32
        %dma_wait3A_218 = arith.constant 0 : i32
        %dma_wait3A_219 = tpu.memref_slice %arg7[%dma_wait3A_217, %dma_wait3A_218] : memref<10000x128xf32, #tpu.memory_space<vmem_shared>> -> memref<16x128xf32, #tpu.memory_space<vmem_shared>>
        tpu.wait_dma2 semaphore(%run_scoped3A_209 : memref<!tpu.dma_semaphore, #tpu.memory_space<semaphore_mem>>) src(%dma_wait3A_219 : memref<16x128xf32, #tpu.memory_space<vmem_shared>>) dst(%dma_wait3A_216 : memref<16x128xf32, #tpu.memory_space<hbm>>)
        tpu.yield
      }) : () -> ()
    } else {
    }
    return
  }
}

module attributes {stable_mosaic.version = 14 : i64} {
  func.func @_mm2_body(%arg0: i32, %arg1: memref<2x1000x128xf32, #tpu.memory_space<vmem>>, %arg2: memref<256x256xf32, #tpu.memory_space<vmem>>, %arg3: memref<1x256xf32, #tpu.memory_space<vmem>>, %arg4: memref<1000x256xf32, #tpu.memory_space<vmem>>) attributes {dimension_semantics = [#tpu.dimension_semantics<arbitrary>], iteration_bounds = array<i64: 10>, scalar_prefetch = 0 : i64, scratch_operands = 0 : i64, tpu.core_type = #tpu.core_type<tc>, window_params = [{transform_indices = @transform_0, window_bounds = array<i64: 2, 1000, 128>}, {pipeline_mode = #tpu.pipeline_mode<synchronous>, transform_indices = @transform_1, window_bounds = array<i64: 256, 256>}, {pipeline_mode = #tpu.pipeline_mode<synchronous>, transform_indices = @transform_2, window_bounds = array<i64: 1, 256>}, {transform_indices = @transform_3, window_bounds = array<i64: 1000, 256>}]} {
    %get3A = arith.constant 0 : index
    %get3A_0 = arith.constant 0 : index
    %get3A_1 = arith.constant 0 : index
    %get3A_2 = vector.load %arg1[%get3A, %get3A_0, %get3A_1] : memref<2x1000x128xf32, #tpu.memory_space<vmem>>, vector<1x1000x128xf32>
    %get3A_3 = vector.shape_cast %get3A_2 : vector<1x1000x128xf32> to vector<1000x128xf32>
    %get3A_4 = arith.constant 0 : index
    %get3A_5 = arith.constant 0 : index
    %get3A_6 = vector.load %arg2[%get3A_4, %get3A_5] : memref<256x256xf32, #tpu.memory_space<vmem>>, vector<128x256xf32>
    %dot_general3A = arith.constant dense<0.000000e+00> : vector<1000x256xf32>
    %dot_general3A_7 = tpu.matmul %get3A_3, %get3A_6, %dot_general3A {dimension_numbers = #tpu.dot_dimension_numbers<[1], [0], [0], [1], [0, 0, 1, 1], [], []>, transpose_lhs_hint = false} : vector<1000x128xf32>, vector<128x256xf32>, vector<1000x256xf32> -> vector<1000x256xf32>
    %get3A_8 = arith.constant 1 : index
    %get3A_9 = arith.constant 0 : index
    %get3A_10 = arith.constant 0 : index
    %get3A_11 = vector.load %arg1[%get3A_8, %get3A_9, %get3A_10] : memref<2x1000x128xf32, #tpu.memory_space<vmem>>, vector<1x1000x128xf32>
    %get3A_12 = vector.shape_cast %get3A_11 : vector<1x1000x128xf32> to vector<1000x128xf32>
    %get3A_13 = arith.constant 128 : index
    %get3A_14 = arith.constant 0 : index
    %get3A_15 = vector.load %arg2[%get3A_13, %get3A_14] : memref<256x256xf32, #tpu.memory_space<vmem>>, vector<128x256xf32>
    %dot_general3A_16 = arith.constant dense<0.000000e+00> : vector<1000x256xf32>
    %dot_general3A_17 = tpu.matmul %get3A_12, %get3A_15, %dot_general3A_16 {dimension_numbers = #tpu.dot_dimension_numbers<[1], [0], [0], [1], [0, 0, 1, 1], [], []>, transpose_lhs_hint = false} : vector<1000x128xf32>, vector<128x256xf32>, vector<1000x256xf32> -> vector<1000x256xf32>
    %add3A = arith.addf %dot_general3A_7, %dot_general3A_17 : vector<1000x256xf32>
    %get3A_18 = arith.constant 0 : index
    %get3A_19 = arith.constant 0 : index
    %get3A_20 = vector.load %arg3[%get3A_18, %get3A_19] : memref<1x256xf32, #tpu.memory_space<vmem>>, vector<1x256xf32>
    %add3A_21 = vector.broadcast %get3A_20 : vector<1x256xf32> to vector<1000x256xf32>
    %add3A_22 = arith.addf %add3A, %add3A_21 : vector<1000x256xf32>
    %custom_jvp_call3A = arith.constant 0.000000e+00 : f32
    %max3A = vector.broadcast %custom_jvp_call3A : f32 to vector<1000x256xf32>
    %max3A_23 = arith.maximumf %add3A_22, %max3A : vector<1000x256xf32>
    %sub3A = vector.broadcast %custom_jvp_call3A : f32 to vector<1000x256xf32>
    %sub3A_24 = arith.subf %add3A_22, %sub3A : vector<1000x256xf32>
    %ne3A = arith.cmpf one, %sub3A_24, %sub3A_24 : vector<1000x256xf32>
    %add3A_25 = vector.broadcast %custom_jvp_call3A : f32 to vector<1000x256xf32>
    %add3A_26 = arith.addf %add3A_22, %add3A_25 : vector<1000x256xf32>
    %abs3A = math.absf %sub3A_24 : vector<1000x256xf32>
    %neg3A = arith.constant 0.000000e+00 : f32
    %neg3A_27 = vector.broadcast %neg3A : f32 to vector<1000x256xf32>
    %neg3A_28 = arith.subf %neg3A_27, %abs3A : vector<1000x256xf32>
    %exp3A = math.exp %neg3A_28 : vector<1000x256xf32>
    %log1p3A = math.log1p %exp3A : vector<1000x256xf32>
    %add3A_29 = arith.addf %max3A_23, %log1p3A : vector<1000x256xf32>
    %select_n3A = arith.select %ne3A, %add3A_26, %add3A_29 : vector<1000x256xi1>, vector<1000x256xf32>
    %swap3A = arith.constant 0 : index
    %swap3A_30 = arith.constant 0 : index
    %swap3A_31 = vector.load %arg4[%swap3A, %swap3A_30] : memref<1000x256xf32, #tpu.memory_space<vmem>>, vector<1000x256xf32>
    tpu.vector_store %arg4[%swap3A, %swap3A_30], %select_n3A {strides = array<i32>} : memref<1000x256xf32, #tpu.memory_space<vmem>>, vector<1000x256xf32>,
    return
  }
  func.func @transform_0(%arg0: i32) -> (i32, i32, i32) {
    %c0_i32 = arith.constant 0 : i32
    %c0_i32_0 = arith.constant 0 : i32
    %c0_i32_1 = arith.constant 0 : i32
    return %c0_i32, %arg0, %c0_i32_0 : i32, i32, i32
  }
  func.func @transform_1(%arg0: i32) -> (i32, i32) {
    %c0_i32 = arith.constant 0 : i32
    %c0_i32_0 = arith.constant 0 : i32
    %c0_i32_1 = arith.constant 0 : i32
    return %c0_i32, %c0_i32_0 : i32, i32
  }
  func.func @transform_2(%arg0: i32) -> (i32, i32) {
    %c0_i32 = arith.constant 0 : i32
    %c0_i32_0 = arith.constant 0 : i32
    %c0_i32_1 = arith.constant 0 : i32
    return %c0_i32, %c0_i32_0 : i32, i32
  }
  func.func @transform_3(%arg0: i32) -> (i32, i32) {
    %c0_i32 = arith.constant 0 : i32
    %c0_i32_0 = arith.constant 0 : i32
    return %arg0, %c0_i32 : i32, i32
  }
}

module attributes {stable_mosaic.version = 14 : i64} {
  func.func @_mm1_body(%arg0: i32, %arg1: i32, %arg2: memref<1000x256xf32, #tpu.memory_space<vmem>>, %arg3: memref<256x128xf32, #tpu.memory_space<vmem>>, %arg4: memref<1x1000x128xf32, #tpu.memory_space<vmem>>) attributes {dimension_semantics = [#tpu.dimension_semantics<arbitrary>, #tpu.dimension_semantics<arbitrary>], iteration_bounds = array<i64: 2, 10>, scalar_prefetch = 0 : i64, scratch_operands = 0 : i64, tpu.core_type = #tpu.core_type<tc>, window_params = [{transform_indices = @transform_0, window_bounds = array<i64: 1000, 256>}, {transform_indices = @transform_1, window_bounds = array<i64: 256, 128>}, {transform_indices = @transform_2, window_bounds = array<i64: 1, 1000, 128>}]} {
    %get3A = arith.constant 0 : index
    %get3A_0 = arith.constant 0 : index
    %get3A_1 = vector.load %arg2[%get3A, %get3A_0] : memref<1000x256xf32, #tpu.memory_space<vmem>>, vector<1000x256xf32>
    %get3A_2 = arith.constant 0 : index
    %get3A_3 = arith.constant 0 : index
    %get3A_4 = vector.load %arg3[%get3A_2, %get3A_3] : memref<256x128xf32, #tpu.memory_space<vmem>>, vector<256x128xf32>
    %dot_general3A = arith.constant dense<0.000000e+00> : vector<1000x128xf32>
    %dot_general3A_5 = tpu.matmul %get3A_1, %get3A_4, %dot_general3A {dimension_numbers = #tpu.dot_dimension_numbers<[1], [0], [0], [1], [0, 0, 1, 1], [], []>, transpose_lhs_hint = false} : vector<1000x256xf32>, vector<256x128xf32>, vector<1000x128xf32> -> vector<1000x128xf32>
    %swap3A = arith.constant 0 : index
    %swap3A_6 = arith.constant 0 : index
    %swap3A_7 = arith.constant 0 : index
    %swap3A_8 = vector.load %arg4[%swap3A, %swap3A_6, %swap3A_7] : memref<1x1000x128xf32, #tpu.memory_space<vmem>>, vector<1x1000x128xf32>
    %swap3A_9 = vector.shape_cast %swap3A_8 : vector<1x1000x128xf32> to vector<1000x128xf32>
    %swap3A_10 = vector.shape_cast %dot_general3A_5 : vector<1000x128xf32> to vector<1x1000x128xf32>
    tpu.vector_store %arg4[%swap3A, %swap3A_6, %swap3A_7], %swap3A_10 {strides = array<i32>} : memref<1x1000x128xf32, #tpu.memory_space<vmem>>, vector<1x1000x128xf32>,
    return
  }
  func.func @transform_0(%arg0: i32, %arg1: i32) -> (i32, i32) {
    %c0_i32 = arith.constant 0 : i32
    %c0_i32_0 = arith.constant 0 : i32
    return %arg1, %c0_i32 : i32, i32
  }
  func.func @transform_1(%arg0: i32, %arg1: i32) -> (i32, i32) {
    %c0_i32 = arith.constant 0 : i32
    %c0_i32_0 = arith.constant 0 : i32
    return %c0_i32, %arg0 : i32, i32
  }
  func.func @transform_2(%arg0: i32, %arg1: i32) -> (i32, i32, i32) {
    %c0_i32 = arith.constant 0 : i32
    %c0_i32_0 = arith.constant 0 : i32
    return %arg0, %arg1, %c0_i32 : i32, i32, i32
  }
}

</mosaic_0001>

<sc_bundles>
// kernel: sc_edge_cfconv.3.cloned.1.call-start
scs
__scs_entry_jumppad:
0x0: {  	(pc) =	sbr.rel $0x88, $3  }
0x1: {  	(tag) =	ssettag $0x0;
	lr =	simm.s32 $0x1  }
0x2: {  	[smem:$0x3F9A] =	sst lr;
	_ =	strace $0xD0000000  }
0x3: {  	_ = 	snop  }
0x4: {  	_ = 	snop  }
0x5: {  	_ = 	snop  }
0x6: {  	_ = 	snop  }
0x7: {  	_ = 	snop  }
__scs_overlays_trampoline_lowered:
0x8: {  	[smem:$0x3FA9] =	sst s0  }
0x9: {  	[smem:$0x3FAA] =	sst s1  }
0xa: {  	[smem:$0x3FAB] =	sst s2  }
0xb: {  	[smem:$0x3FAC] =	sst s3  }
0xc: {  	[smem:$0x3FAD] =	sst s4  }
0xd: {  	[smem:$0x3FAE] =	sst s5  }
0xe: {  	[smem:$0x3FAF] =	sst s6  }
0xf: {  	[smem:$0x3FB0] =	sst s7  }
0x10: {  	[smem:$0x3FB1] =	sst s8  }
0x11: {  	[smem:$0x3FB2] =	sst s9;
	s0 =	simm.s32 @!p0 $0x0  }
0x12: {  	s1 =	sld [smem:$0x3F98];
	s0 =	simm.s32 @p0 $0x1  }
0x13: {  	[smem:$0x3FB3] =	sst s0;
	s0 =	simm.s32 @!p1 $0x0  }
0x14: {  	s2 =	sld [smem:$0x3F97];
	s0 =	simm.s32 @p1 $0x1  }
0x15: {  	[smem:$0x3FB4] =	sst s0;
	s0 =	simm.s32 @!p2 $0x0  }
0x16: {  	s3 =	sld [smem:$0x3FDB];
	s0 =	simm.s32 @p2 $0x1  }
0x17: {  	s4 =	simm.s32 $0x1BF5;
	[smem:$0x3FB6] =	sst s0  }
0x18: {  	s0 =	sld [smem:$0x3F99];
	_ =	swait.ge [sflag:s4], $0x0  }
0x19: {  	s7 =	sld [smem:$0x3F9A]  }
0x1a: {  	s8 =	sadd.s32 $0xFFFFE003, lr  }
0x1b: {  	s9 =	sadd.s32 $0xFFFFFEF7, lr;
	s5 =	simm.s32 $0xFFFFFFFF;
	p2 =	slt.u32 s8, $0xFFFFF086  }
0x1c: {  	p1 =	slt.u32 s9, $0xF7A;
	s5 =	simm.s32 @!p2 $0x0  }
0x1d: {  	s5 =	simm.s32 @p1 $0x1;
	p0 =	seq.s32 s7, s2  }
0x1e: {  	s7 =	smul.u32 @!p0 $0xF7A, s2;
	p2 =	seq.s32 @!p0 s5, $0x0  }
0x1f: {  	s9 =	smul.u32 $0xF7A, s1;
	s8 =	simm.s32 @!p0 $0x1BF5;
	p2 =	por !p2, p0  }
0x20: {  	[sflag:s8] =	ssyncset.s32 @!p0 $0xFFFFF086;
	s6 =	sadd.s32 @!p0 s3, s7;
	s7 =	simm.s32 @!p0 $0x108  }
0x21: {  	s3 =	sadd.s32 s3, s9;
	s6 =	sadd.s32 @!p0 $0x88, s6;
	s7 =	simm.s32 @p2 $0x1082  }
0x22: {  	[simem:s7], [sflag:s8] =	dma.local @!p0 [hbm:s6], $0xF7A  }
0x23: {  	s9 =	sor.u32 $0xD0000000, s2;
	s6 =	simm.s32 $0x108;
	_ =	swait.ge @!p0 [sflag:s8], $0x0  }
0x24: {  	s3 =	sadd.s32 $0x88, s3;
	s6 =	simm.s32 @!p1 $0x1082;
	[sflag:s4] =	ssyncset.s32 $0xFFFFF086  }
0x25: {  	[simem:s6], [sflag:s4] =	dma.local [hbm:s3], $0xF7A  }
0x26: {  	[smem:$0x3F9A] =	sst s1;
	(tag) =	ssettag s2;
	_ =	strace s9  }
0x27: {  	s1 =	sld [smem:$0x3FAA]  }
0x28: {  	s2 =	sld [smem:$0x3FAB]  }
0x29: {  	s4 =	sld [smem:$0x3FAD]  }
0x2a: {  	p0 =	seq.s32 s5, $0x0;
	s5 =	sld [smem:$0x3FAE]  }
0x2b: {  	s6 =	sld [smem:$0x3FAF]  }
0x2c: {  	s7 =	sld [smem:$0x3FB0]  }
0x2d: {  	s3 =	simm.s32 $0x108;
	s8 =	sld [smem:$0x3FB1]  }
0x2e: {  	s3 =	simm.s32 @!p0 $0x1082;
	s9 =	sld [smem:$0x3FB2]  }
0x2f: {  	lr =	sadd.s32 s0, s3;
	s0 =	sld [smem:$0x3FA9]  }
0x30: {  	s3 =	sld [smem:$0x3FAC]  }
0x31: {  	[smem:$0x3FB5] =	sst s10  }
0x32: {  	s10 =	sld [smem:$0x3FB3];
	_ =	sdelay $0x3  }
0x33: {  	p0 =	seq.s32 s10, $0x1;
	s10 =	sld [smem:$0x3FB5];
	_ =	sdelay $0x3  }
0x34: {  	[smem:$0x3FB5] =	sst s10  }
0x35: {  	s10 =	sld [smem:$0x3FB4];
	_ =	sdelay $0x3  }
0x36: {  	p1 =	seq.s32 s10, $0x1;
	s10 =	sld [smem:$0x3FB5];
	_ =	sdelay $0x3  }
0x37: {  	[smem:$0x3FB5] =	sst s10  }
0x38: {  	s10 =	sld [smem:$0x3FB6]  }
0x39: {  	_ = 	snop;
	(pc) =	sbr.ind lr, $3  }
0x3a: {  	_ = 	snop  }
0x3b: {  	_ = 	snop  }
0x3c: {  	p2 =	seq.s32 s10, $0x1;
	s10 =	sld [smem:$0x3FB5]  }
0x3d: {  	_ =	shalt  }
0x3e: {  	_ =	shalt  }
0x3f: {  	_ =	shalt  }
0x40: {  	_ =	shalt  }
0x41: {  	_ =	shalt  }
0x42: {  	_ =	shalt  }
0x43: {  	_ =	shalt  }
0x44: {  	_ =	shalt  }
0x45: {  	_ =	shalt  }
0x46: {  	_ =	shalt  }
0x47: {  	_ =	shalt  }
0x48: {  	_ =	shalt  }
0x49: {  	_ =	shalt  }
0x4a: {  	_ =	shalt  }
0x4b: {  	_ =	shalt  }
0x4c: {  	_ =	shalt  }
0x4d: {  	_ =	shalt  }
0x4e: {  	_ =	shalt  }
0x4f: {  	_ =	shalt  }
0x50: {  	_ =	shalt  }
0x51: {  	_ =	shalt  }
0x52: {  	_ =	shalt  }
0x53: {  	_ =	shalt  }
0x54: {  	_ =	shalt  }
0x55: {  	_ =	shalt  }
0x56: {  	_ =	shalt  }
0x57: {  	_ =	shalt  }
0x58: {  	_ =	shalt  }
0x59: {  	_ =	shalt  }
0x5a: {  	_ =	shalt  }
0x5b: {  	_ =	shalt  }
0x5c: {  	_ =	shalt  }
0x5d: {  	_ =	shalt  }
0x5e: {  	_ =	shalt  }
0x5f: {  	_ =	shalt  }
0x60: {  	_ =	shalt  }
0x61: {  	_ =	shalt  }
0x62: {  	_ =	shalt  }
0x63: {  	_ =	shalt  }
0x64: {  	_ =	shalt  }
0x65: {  	_ =	shalt  }
0x66: {  	_ =	shalt  }
0x67: {  	_ =	shalt  }
0x68: {  	_ =	shalt  }
0x69: {  	_ =	shalt  }
0x6a: {  	_ =	shalt  }
0x6b: {  	_ =	shalt  }
0x6c: {  	_ =	shalt  }
0x6d: {  	_ =	shalt  }
0x6e: {  	_ =	shalt  }
0x6f: {  	_ =	shalt  }
0x70: {  	_ =	shalt  }
0x71: {  	_ =	shalt  }
0x72: {  	_ =	shalt  }
0x73: {  	_ =	shalt  }
0x74: {  	_ =	shalt  }
0x75: {  	_ =	shalt  }
0x76: {  	_ =	shalt  }
0x77: {  	_ =	shalt  }
0x78: {  	_ =	shalt  }
0x79: {  	_ =	shalt  }
0x7a: {  	_ =	shalt  }
0x7b: {  	_ =	shalt  }
0x7c: {  	_ =	shalt  }
0x7d: {  	_ =	shalt  }
0x7e: {  	_ =	shalt  }
0x7f: {  	_ =	shalt  }
0x80: {  	_ =	shalt  }
0x81: {  	_ =	shalt  }
0x82: {  	_ =	shalt  }
0x83: {  	_ =	shalt  }
0x84: {  	_ =	shalt  }
0x85: {  	_ =	shalt  }
0x86: {  	_ =	shalt  }
0x87: {  	_ =	shalt  }
.Lfunc_end0:
.L_simem_size_0:
called_computation_lowered:
.L_overlay_start_0:
0x88: {  	s2 =	sld [smem:$0x3FD9]  }
0x89: {  	s3 =	sld [smem:$0x3FFE];
	_ =	sdelay $0x1  }
0x8a: {  	s1 =	srdreg.scid  }
0x8b: {  	s0 =	sand.u32 $0x1, s1  }
0x8c: {  	s17 =	sshll.u32 s0, $0xA;
	s2 =	sadd.s32 s3, s2  }
0x8d: {  	s2 =	sadd.s32 s2, s17  }
0x8e: {  	[smem:$0x3FC1] =	sst s2  }
0x8f: {  	_ = 	snop  }
0x90: {  	s2 =	sld [smem:$0x3FC8]  }
0x91: {  	s18 =	sld [smem:$0x3FC7]  }
0x92: {  	s4 =	sld [smem:$0x3FD0];
	(tm) =	ssettm $0x1  }
0x93: {  	s5 =	sld [smem:$0x3FFB];
	_ =	sdelay $0x3  }
0x94: {  	_ =	strace s5  }
0x95: {  	s5 =	sld [smem:$0x3FFC];
	_ =	sdelay $0x3  }
0x96: {  	_ =	strace s5  }
0x97: {  	s5 =	sld [smem:$0x3FFD];
	_ =	sdelay $0x3  }
0x98: {  	_ =	strace s5  }
0x99: {  	_ =	strace $0x8FFFFFFF  }
0x9a: {  	s19 =	sld [smem:$0x3FDB];
	_ =	sdelay $0x1  }
0x9b: {  	s6 =	simm.s32 $_scs_section_size  }
0x9c: {  	s7 =	simm.s32 $_size__tile_overlayer_lowered;
	s8 =	simm.s32 $_tile_overlayer_lowered  }
0x9d: {  	s22 =	simm.s32 $0x1BFF;
	s21 =	sshll.u32 s8, $0x1;
	s5 =	sadd.s32 s6, s19  }
0x9e: {  	s9 =	simm.s32 $0x0;
	s20 =	sshll.u32 s7, $0x1;
	s7 =	sadd.s32 s21, s5  }
0x9f: {  	[timem:s9], [sflag:s22] =	dma.local [hbm:s7], s20  }
0xa0: {  	_ =	swait.ge [sflag:s22], s20  }
0xa1: {  	s6 =	ssub.s32 $0x0, s20;
	[sflag:s22] =	ssyncset.done $0x0  }
0xa2: {  	[sflag:s22] =	ssyncadd.s32 s6;
	_ =	sdelay $0x1  }
0xa3: {  	s23 =	simm.s32 $0x1B8B  }
0xa4: {  	_ =	swait.ge [sflag:s23], $0x1  }
0xa5: {  	[sflag:s23] =	ssyncset.done $0x0  }
0xa6: {  	s25 =	simm.s32 $0x1B8E;
	s24 =	sld [smem:$0x3FFE];
	[sflag:s23] =	ssyncadd.s32 $0xFFFFFFFF  }
0xa7: {  	s26 =	simm.s32 $execute0_lowered;
	[smem:$0x3FD2] =	sst s25  }
0xa8: {  	s7 =	sshll.u32 s26, $0x1;
	_ =	strace $0x80000046;
	[dreg:$0x1] =	wrdreg $0xFFFFFFFF  }
0xa9: {  	s28 =	simm.s32 $_size_execute0_lowered;
	s5 =	sadd.s32 s5, s7;
	[dreg:$0x0] =	wrdreg $0x0  }
0xaa: {  	s7 =	sshll.u32 s28, $0x1;
	[dreg:$0x2] =	wrdreg s5  }
0xab: {  	[dreg:$0x3] =	wrdreg s7  }
0xac: {  	[dreg:$0x4] =	wrdreg $0xC0  }
0xad: {  	_ =	task [dreg:s9], $0x5FFFF  }
0xae: {  	[dreg:$0x1] =	wrdreg $0xFFFFFFFF  }
0xaf: {  	[dreg:$0x0] =	wrdreg $0x60  }
0xb0: {  	[dreg:$0x2] =	wrdreg s4  }
0xb1: {  	[dreg:$0x3] =	wrdreg s2  }
0xb2: {  	[dreg:$0x4] =	wrdreg s18  }
0xb3: {  	[dreg:$0x5] =	wrdreg s24  }
0xb4: {  	[dreg:$0x6] =	wrdreg $0x0  }
0xb5: {  	[dreg:$0x7] =	wrdreg $0x9  }
0xb6: {  	_ =	task.clear_ibuf [dreg:s9], $0x8FFFF;
	_ =	strace $0x90000046  }
0xb7: {  	s29 =	simm.s32 $0x9;
	_ =	strace $0x80000048  }
0xb8: {  	_ =	swait.ge [sflag:s29], $0x1  }
0xb9: {  	[sflag:s29] =	ssyncadd.s32 $0xFFFFFFFF  }
0xba: {  	_ =	strace $0x90000048  }
0xbb: {  	_ =	sfence  }
0xbc: {  	s30 =	sld [smem:$0x0];
	_ =	sdelay $0x2  }
0xbd: {  	s31 =	sshll.u32 s1, $0xD;
	s1 =	sshrl.u32 s1, $0x2  }
0xbe: {  	s3 =	sand.u32 $0x4000, s31;
	s1 =	sadd.s32 s1, s30  }
0xbf: {  	s0 =	sor.u32 s3, s0;
	s1 =	sshll.u32 s1, $0x11  }
0xc0: {  	s0 =	sor.u32 s1, s0  }
0xc1: {  	s0 =	sadd.s32 $0x8F2B, s0  }
0xc2: {  	[sflag:s0] =	ssyncadd.remote.s32 $0x1  }
0xc3: {  	_ =	sfence.sel $0xFFFF  }
0xc4: {  	[dreg:$0x0] =	wrdreg $0xFFFFFFFF;
	(pc) =	sbr.abs _section_cstart, $3  }
0xc5: {  	[dreg:$0x1] =	wrdreg $0xFFFFFFFF  }
0xc6: {  	_ =	task.clear_ibuf [dreg:s9], $0x2FFFF;
	_ =	strace $0x9FFFFFFF  }
0xc7: {  	(tm) =	ssettm $0x7FFFFFFF  }
tec
execute0_lowered:
.L_overlay_start_1:
0x0: {  	(tag) =	ssettag $0x1  }
0x1: {  	s1 =	rddreg [dreg:$0x0]  }
0x2: {  	s2 =	rddreg [dreg:$0x1]  }
0x3: {  	s3 =	rddreg [dreg:$0x2]  }
0x4: {  	s0 =	rddreg [dreg:$0x3]  }
0x5: {  	s4 =	rddreg [dreg:$0x4]  }
0x6: {  	s5 =	simm.s32 $0x0;
	s6 =	srdreg.scid;
	s16 =	stileid.u32  }
0x7: {  	s29 =	simm.s32 $0x13C80;
	s30 =	simm.s32 $0xB;
	s31 =	simm.s32 $0x13880  }
0x8: {  	[smem:$0x7FF] =	sst s5;
	s6 =	sand.u32 $0x1, s6;
	s8 =	smul.u32 $0x4E000, s16  }
0x9: {  	s7 =	sadd.s32 $0x1000, s0;
	s0 =	sadd.s32 $0xAE00, s0;
	s9 =	ssub.s32 $0x2, s6  }
0xa: {  	s22 =	smul.u32 $0x2700, s16;
	s10 =	sshrl.u32 s9, $0x1;
	s11 =	sshrl.u32 s8, $0x2  }
0xb: {  	p0 =	sne.s32 s16, $0x0;
	s12 =	ssub.s32 s9, s10;
	s9 =	sadd.s32 s11, s4  }
0xc: {  	s28 =	sadd.s32 $0x138000, s4;
	_ =	strace $0x80000047;
	s13 =	sadd.s32 $0x2800, s9  }
0xd: {  	s18 =	smul.u32 $0x138800, s6;
	s23 =	sadd.s32 $0x5000, s9;
	[dreg:$0x6] =	wrdreg s13  }
0xe: {  	s8 =	smul.u32 $0x2710, s16;
	s24 =	sadd.s32 $0x7800, s9;
	[dreg:$0x7] =	wrdreg s23  }
0xf: {  	s10 =	smul.u32 $0x27100, s6;
	s25 =	sadd.s32 $0xA000, s9;
	[dreg:$0x8] =	wrdreg s24  }
0x10: {  	s20 =	sshrl.u32 s18, $0x3;
	s14 =	sadd.s32 $0xC800, s9;
	[dreg:$0x9] =	wrdreg s25  }
0x11: {  	s15 =	sadd.s32 $0xF000, s9;
	s17 =	sshrl.u32 s8, $0x3;
	[dreg:$0xa] =	wrdreg s14  }
0x12: {  	s19 =	sadd.s32 $0x50, s8;
	s26 =	sadd.s32 s8, s10;
	[dreg:$0xb] =	wrdreg s15  }
0x13: {  	s11 =	sadd.s32 s22, s10;
	s15 =	smul.u32 $0x271000, s16;
	s21 =	sadd.s32 s10, s19  }
0x14: {  	s23 =	sshrl.u32 s19, $0x3;
	s13 =	sshrl.u32 s26, $0x3;
	s11 =	sadd.s32 s0, s11  }
0x15: {  	s0 =	sadd.s32 s0, s20;
	s20 =	sshll.u32 s6, $0xA;
	s22 =	sshrl.u32 s21, $0x3  }
0x16: {  	s25 =	sadd.s32 s3, s23;
	s13 =	sadd.s32 s7, s13;
	[dreg:$0xe] =	wrdreg s11  }
0x17: {  	s24 =	sor.u32 s20, s15;
	s6 =	sadd.s32 s7, s22;
	[dreg:$0x10] =	wrdreg s25  }
0x18: {  	s25 =	smax.u32 s12, $0x1;
	s11 =	simm.s32 $0x400;
	[dreg:$0xc] =	wrdreg s13  }
0x19: {  	s12 =	simm.s32 $0x800;
	s13 =	sadd.s32 s3, s17;
	[dreg:$0xf] =	wrdreg s6  }
0x1a: {  	s26 =	sshrl.u32 s24, $0x3;
	s24 =	sadd.s32 $0x27000, s0;
	s0 =	simm.s32 $0x1  }
0x1b: {  	[dreg:$0xd] =	wrdreg s13;
	s6 =	sadd.s32 s2, s26;
	s26 =	sadd.s32 $0x11800, s9  }
0x1c: {  	v0 =	vimm.f32 $0.0e+00;
	s13 =	simm.s32 $0x9;
	[dreg:$0x11] =	wrdreg s6;
	s6 =	simm.s32 $0x50  }
.LBB2_1:
0x1d: {  	s14 =	simm.s32 $0x0;
	s15 =	simm.s32 $0x200  }
.LBB2_2:
0x1e: {  	p1 =	sne.s32 s15, $0x9E00;
	[tilespmem:s14+$0x13CF0] =	vst v0  }
0x1f: {  	[tilespmem:s14+$0x13C80] =	vst v0  }
0x20: {  	[tilespmem:s14+$0x13C90] =	vst v0  }
.Ltmp0:
0x21: {  	[tilespmem:s14+$0x13CA0] =	vst v0;
	(pc) =	sbr.rel @p1 .LBB2_2-.Ltmp0, $4  }
0x22: {  	[tilespmem:s14+$0x13CB0] =	vst v0  }
0x23: {  	[tilespmem:s14+$0x13CC0] =	vst v0  }
0x24: {  	[tilespmem:s14+$0x13CD0] =	vst v0  }
0x25: {  	[tilespmem:s14+$0x13CE0] =	vst v0;
	s14 =	sshra.s32 s15, $0x2;
	s15 =	sadd.s32 $0x200, s15  }
0x26: {  	[tilespmem:s14+$0x13CF0] =	vst v0  }
0x27: {  	[tilespmem:s14+$0x13C80] =	vst v0  }
0x28: {  	[tilespmem:s14+$0x13C90] =	vst v0  }
0x29: {  	[tilespmem:s14+$0x13CA0] =	vst v0  }
0x2a: {  	[tilespmem:s14+$0x13CB0] =	vst v0  }
0x2b: {  	[tilespmem:s14+$0x13CC0] =	vst v0  }
0x2c: {  	[tilespmem:s14+$0x13CD0] =	vst v0  }
0x2d: {  	[tilespmem:s14+$0x13CE0] =	vst v0  }
0x2e: {  	[spmem:s9] =	stream.linear.scatter [tilespmem:s29], [sflag:$0xB], $0x2800, $0x38;
	[tilespmem:$0x1DC80] =	vst v63  }
0x2f: {  	_ =	swait.ge [sflag:s30], $0x2800  }
0x30: {  	[sflag:s30] =	ssyncset.done $0x0  }
0x31: {  	s16 =	rddreg [dreg:$0x6];
	[sflag:s30] =	ssyncadd.s32 $0xFFFFD800  }
0x32: {  	[spmem:s16] =	stream.linear.scatter [tilespmem:s29], [sflag:$0xB], $0x2800, $0x38;
	[tilespmem:$0x1DC80] =	vst v63  }
0x33: {  	_ =	swait.ge [sflag:s30], $0x2800  }
0x34: {  	[sflag:s30] =	ssyncset.done $0x0  }
0x35: {  	s17 =	rddreg [dreg:$0x7];
	[sflag:s30] =	ssyncadd.s32 $0xFFFFD800  }
0x36: {  	[spmem:s17] =	stream.linear.scatter [tilespmem:s29], [sflag:$0xB], $0x2800, $0x38;
	[tilespmem:$0x1DC80] =	vst v63  }
0x37: {  	_ =	swait.ge [sflag:s30], $0x2800  }
0x38: {  	[sflag:s30] =	ssyncset.done $0x0  }
0x39: {  	s18 =	rddreg [dreg:$0x8];
	[sflag:s30] =	ssyncadd.s32 $0xFFFFD800  }
0x3a: {  	[spmem:s18] =	stream.linear.scatter [tilespmem:s29], [sflag:$0xB], $0x2800, $0x38;
	[tilespmem:$0x1DC80] =	vst v63  }
0x3b: {  	_ =	swait.ge [sflag:s30], $0x2800  }
0x3c: {  	[sflag:s30] =	ssyncset.done $0x0  }
0x3d: {  	s19 =	rddreg [dreg:$0x9];
	[sflag:s30] =	ssyncadd.s32 $0xFFFFD800  }
0x3e: {  	[spmem:s19] =	stream.linear.scatter [tilespmem:s29], [sflag:$0xB], $0x2800, $0x38;
	[tilespmem:$0x1DC80] =	vst v63  }
0x3f: {  	_ =	swait.ge [sflag:s30], $0x2800  }
0x40: {  	[sflag:s30] =	ssyncset.done $0x0  }
0x41: {  	s21 =	rddreg [dreg:$0xa];
	[sflag:s30] =	ssyncadd.s32 $0xFFFFD800  }
0x42: {  	[spmem:s21] =	stream.linear.scatter [tilespmem:s29], [sflag:$0xB], $0x2800, $0x38;
	[tilespmem:$0x1DC80] =	vst v63  }
0x43: {  	_ =	swait.ge [sflag:s30], $0x2800  }
0x44: {  	[sflag:s30] =	ssyncset.done $0x0  }
0x45: {  	s22 =	rddreg [dreg:$0xb];
	[sflag:s30] =	ssyncadd.s32 $0xFFFFD800  }
0x46: {  	[spmem:s22] =	stream.linear.scatter [tilespmem:s29], [sflag:$0xB], $0x2800, $0x38;
	[tilespmem:$0x1DC80] =	vst v63  }
0x47: {  	_ =	swait.ge [sflag:s30], $0x2800  }
0x48: {  	[sflag:s30] =	ssyncset.done $0x0  }
0x49: {  	[sflag:s30] =	ssyncadd.s32 $0xFFFFD800  }
0x4a: {  	[spmem:s26] =	stream.linear.scatter [tilespmem:s29], [sflag:$0xB], $0x2000, $0x38;
	[tilespmem:$0x1DC80] =	vst v63  }
0x4b: {  	_ =	swait.ge [sflag:s30], $0x2000  }
0x4c: {  	[sflag:s30] =	ssyncset.done $0x0  }
0x4d: {  	s14 =	simm.s32 @!p0 $0x13C80;
	[sflag:s30] =	ssyncadd.s32 $0xFFFFE000  }
0x4e: {  	[spmem:s28] =	stream.linear.scatter @!p0 [tilespmem:s14], [sflag:$0xB], $0x800, $0x38;
	[tilespmem:$0x1DC80] =	vst v63  }
0x4f: {  	s14 =	simm.s32 @!p0 $0xB  }
0x50: {  	_ =	swait.ge @!p0 [sflag:s14], $0x800  }
0x51: {  	[sflag:s14] =	ssyncset.done @!p0 $0x0  }
0x52: {  	[sflag:s14] =	ssyncadd.s32 @!p0 $0xFFFFF800  }
0x53: {  	[bflag:$0x0] =	sbarrier.arrive $0xFFFF  }
0x54: {  	s14 =	simm.s32 $0x0;
	s15 =	rddreg [dreg:$0xc]  }
0x55: {  	[tilespmem:s31], [sflag:$0x1] =	stream.linear.gather [hbm4b:s15+s14], $0x50, $0x38;
	[tilespmem:$0x1DC80] =	vst v63  }
0x56: {  	s16 =	simm.s32 $0x13A80;
	s23 =	rddreg [dreg:$0xd]  }
0x57: {  	[tilespmem:s16], [sflag:$0x1] =	stream.linear.gather [hbm4b:s23+s14], $0x50, $0x38;
	[tilespmem:$0x1DC80] =	vst v63  }
0x58: {  	s18 =	simm.s32 $0x13900;
	s17 =	rddreg [dreg:$0xf]  }
0x59: {  	[tilespmem:s18], [sflag:$0x2] =	stream.linear.gather [hbm4b:s17+s14], $0x50, $0x38;
	[tilespmem:$0x1DC80] =	vst v63  }
0x5a: {  	s21 =	simm.s32 $0x13B00;
	s19 =	rddreg [dreg:$0x10]  }
0x5b: {  	[tilespmem:s21], [sflag:$0x2] =	stream.linear.gather [hbm4b:s19+s14], $0x50, $0x38;
	[tilespmem:$0x1DC80] =	vst v63  }
0x5c: {  	_ =	swait.ge [sflag:s0], $0x50  }
0x5d: {  	[sflag:s0] =	ssyncset.done $0x0  }
0x5e: {  	[sflag:s0] =	ssyncadd.s32 $0xFFFFFFB0  }
0x5f: {  	_ =	swait.ge [sflag:s0], $0x50  }
0x60: {  	[sflag:s0] =	ssyncset.done $0x0  }
0x61: {  	[sflag:s0] =	ssyncadd.s32 $0xFFFFFFB0  }
0x62: {  	[tilespmem:s29], [sflag:$0x5] =	stream.indirect.gather [hbm4b:s1+s6], $0x80, s31, s6, $0xb8;
	[tilespmem:$0x1DC80] =	vst v63  }
0x63: {  	s23 =	simm.s32 $0x18C80;
	s22 =	rddreg [dreg:$0x11]  }
0x64: {  	[tilespmem:s23], [sflag:$0x7] =	stream.strided.gather [hbm4b:s22+s11], $0x2800, s12, s11, $0x38;
	[tilespmem:$0x1DC80] =	vst v63  }
.LBB2_4:
0x65: {  	s15 =	sand.u32 $0x1, s14;
	p1 =	sgt.u32 s14, $0x7A  }
0x66: {  	s16 =	sadd.s32 $0x5, s15;
	s17 =	sadd.s32 @!p1 $0x2, s14  }
0x67: {  	_ =	swait.ge [sflag:s16], $0x2800;
	s18 =	smul.u32 @!p1 $0x50, s17  }
0x68: {  	s23 =	sadd.s32 $0x7, s15;
	s22 =	simm.s32 @!p1 $0x0;
	[sflag:s16] =	ssyncset.done $0x0  }
0x69: {  	[sflag:s16] =	ssyncadd.s32 $0xFFFFD800;
	s18 =	sadd.s32 @!p1 s8, s18;
	s16 =	sand.u32 @!p1 $0x3, s17  }
0x6a: {  	_ =	swait.ge [sflag:s23], $0x2800;
	s17 =	sadd.s32 @!p1 s10, s18;
	s19 =	sadd.s32 @!p1 $0x1, s16  }
0x6b: {  	s16 =	sshll.u32 @!p1 s16, $0x7;
	[sflag:s23] =	ssyncset.done $0x0;
	s17 =	sshrl.u32 @!p1 s17, $0x3  }
0x6c: {  	s21 =	sadd.s32 @!p1 $0x13880, s16;
	[sflag:s23] =	ssyncadd.s32 $0xFFFFD800;
	s17 =	sadd.s32 @!p1 s7, s17  }
0x6d: {  	[tilespmem:s21], [sflag:s19] =	stream.linear.gather @!p1 [hbm4b:s17+s22], $0x50, $0x38;
	[tilespmem:$0x1DC80] =	vst v63  }
0x6e: {  	s17 =	sshrl.u32 @!p1 s18, $0x3  }
0x6f: {  	p2 =	seq.s32 @!p1 s14, $0x0;
	s16 =	sadd.s32 @!p1 $0x13A80, s16;
	s17 =	sadd.s32 @!p1 s3, s17  }
0x70: {  	[tilespmem:s16], [sflag:s19] =	stream.linear.gather @!p1 [hbm4b:s17+s22], $0x50, $0x38;
	[tilespmem:$0x1DC80] =	vst v63  }
0x71: {  	p1 =	por p1, !p2  }
0x72: {  	p2 =	seq.s32 @p1 s14, $0x7C  }
0x73: {  	p2 =	por !p1, !p2  }
.Ltmp1:
0x74: {  	s16 =	sxor.u32 @p1 $0x1, s15;
	(pc) =	sbr.rel @!p2 .LBB2_6-.Ltmp1, $4  }
0x75: {  	s16 =	sadd.s32 @p1 $0x9, s16  }
0x76: {  	_ =	swait.ge @p1 [sflag:s16], $0x2800  }
0x77: {  	[sflag:s16] =	ssyncset.done @p1 $0x0  }
0x78: {  	[sflag:s16] =	ssyncadd.s32 @p1 $0xFFFFD800;
	s16 =	simm.s32 @p1 $0x7D  }
0x79: {  	s16 =	sadd.s32 @p1 $0x1, s14  }
0x7a: {  	s16 =	simm.s32 @!p1 $0x1  }
0x7b: {  	s17 =	sand.u32 $0x3, s16  }
0x7c: {  	s18 =	sadd.s32 $0x1, s17  }
0x7d: {  	_ =	swait.ge [sflag:s18], $0x50  }
0x7e: {  	[sflag:s18] =	ssyncset.done $0x0  }
0x7f: {  	s19 =	sand.u32 $0x1, s16;
	s23 =	smul.u32 $0x50, s16;
	[sflag:s18] =	ssyncadd.s32 $0xFFFFFFB0  }
0x80: {  	s21 =	smul.u32 $0x2800, s19;
	_ =	swait.ge [sflag:s18], $0x50  }
0x81: {  	s17 =	sshll.u32 s17, $0x7;
	s22 =	sadd.s32 $0x5, s19;
	[sflag:s18] =	ssyncset.done $0x0  }
0x82: {  	s17 =	sadd.s32 $0x13880, s17;
	[sflag:s18] =	ssyncadd.s32 $0xFFFFFFB0;
	s18 =	sadd.s32 $0x13C80, s21  }
0x83: {  	[tilespmem:s18], [sflag:s22] =	stream.indirect.gather [hbm4b:s1+s6], $0x80, s17, s6, $0xb8;
	[tilespmem:$0x1DC80] =	vst v63  }
0x84: {  	s22 =	sadd.s32 s8, s23  }
0x85: {  	s17 =	sshll.u32 s22, $0x8  }
0x86: {  	s17 =	sor.u32 s20, s17  }
0x87: {  	s17 =	sshrl.u32 s17, $0x3  }
0x88: {  	s19 =	sadd.s32 $0x7, s19;
	s23 =	sadd.s32 $0x18C80, s21;
	s17 =	sadd.s32 s2, s17  }
0x89: {  	[tilespmem:s23], [sflag:s19] =	stream.strided.gather [hbm4b:s17+s11], $0x2800, s12, s11, $0x38;
	[tilespmem:$0x1DC80] =	vst v63  }
.LBB2_6:
0x8a: {  	s17 =	smul.u32 $0xA000, s15;
	_ =	sdelay $0x1  }
0x8b: {  	s17 =	sshrl.u32 s17, $0x2  }
0x8c: {  	s18 =	sadd.s32 $0x18CC0, s17  }
0x8d: {  	s17 =	sadd.s32 $0x13CF0, s17;
	v1 =	vmov s18  }
0x8e: {  	v2 =	vmov s17;
	_ =	sdelay $0x2  }
0x8f: {  	s17 =	simm.s32 $0x0  }
0x90: {  	v3 =	vld.idx.msk [tilespmem:v1+s17+$0xFFFFFFC0 ss:$0x1], $0xffff  }
0x91: {  	v4 =	vld.idx.msk [tilespmem:v2+s17+$0xFFFFFF90 ss:$0x1], $0xffff;
	_ =	sdelay $0x4  }
0x92: {  	v3 =	vmul.f32 v4, v3;
	_ =	sdelay $0x1  }
0x93: {  	[tilespmem:v1+s17+$0xFFFFFFC0 ss:$0x1] =	vst.idx.msk $0xffff, v3  }
0x94: {  	v3 =	vld.idx.msk [tilespmem:v1+s17+$0xFFFFFFD0 ss:$0x1], $0xffff  }
0x95: {  	v4 =	vld.idx.msk [tilespmem:v2+s17+$0xFFFFFFA0 ss:$0x1], $0xffff;
	_ =	sdelay $0x4  }
0x96: {  	v3 =	vmul.f32 v4, v3;
	_ =	sdelay $0x1  }
0x97: {  	[tilespmem:v1+s17+$0xFFFFFFD0 ss:$0x1] =	vst.idx.msk $0xffff, v3  }
0x98: {  	v3 =	vld.idx.msk [tilespmem:v1+s17+$0xFFFFFFE0 ss:$0x1], $0xffff  }
0x99: {  	v4 =	vld.idx.msk [tilespmem:v2+s17+$0xFFFFFFB0 ss:$0x1], $0xffff;
	_ =	sdelay $0x4  }
0x9a: {  	v3 =	vmul.f32 v4, v3;
	_ =	sdelay $0x1  }
0x9b: {  	[tilespmem:v1+s17+$0xFFFFFFE0 ss:$0x1] =	vst.idx.msk $0xffff, v3  }
0x9c: {  	v3 =	vld.idx.msk [tilespmem:v1+s17+$0xFFFFFFF0 ss:$0x1], $0xffff  }
0x9d: {  	v4 =	vld.idx.msk [tilespmem:v2+s17+$0xFFFFFFC0 ss:$0x1], $0xffff;
	_ =	sdelay $0x4  }
0x9e: {  	v3 =	vmul.f32 v4, v3;
	_ =	sdelay $0x1  }
0x9f: {  	[tilespmem:v1+s17+$0xFFFFFFF0 ss:$0x1] =	vst.idx.msk $0xffff, v3  }
0xa0: {  	v3 =	vld.idx.msk [tilespmem:v1+s17+$0x0 ss:$0x1], $0xffff  }
0xa1: {  	v4 =	vld.idx.msk [tilespmem:v2+s17+$0xFFFFFFD0 ss:$0x1], $0xffff;
	_ =	sdelay $0x4  }
0xa2: {  	v3 =	vmul.f32 v4, v3;
	_ =	sdelay $0x1  }
0xa3: {  	[tilespmem:v1+s17+$0x0 ss:$0x1] =	vst.idx.msk $0xffff, v3  }
0xa4: {  	v3 =	vld.idx.msk [tilespmem:v1+s17+$0x10 ss:$0x1], $0xffff  }
0xa5: {  	v4 =	vld.idx.msk [tilespmem:v2+s17+$0xFFFFFFE0 ss:$0x1], $0xffff;
	_ =	sdelay $0x4  }
0xa6: {  	v3 =	vmul.f32 v4, v3;
	_ =	sdelay $0x1  }
0xa7: {  	[tilespmem:v1+s17+$0x10 ss:$0x1] =	vst.idx.msk $0xffff, v3  }
0xa8: {  	v3 =	vld.idx.msk [tilespmem:v1+s17+$0x20 ss:$0x1], $0xffff  }
0xa9: {  	v4 =	vld.idx.msk [tilespmem:v2+s17+$0xFFFFFFF0 ss:$0x1], $0xffff;
	_ =	sdelay $0x4  }
0xaa: {  	v3 =	vmul.f32 v4, v3  }
0xab: {  	s23 =	smul.u32 $0x2800, s15  }
0xac: {  	[tilespmem:v1+s17+$0x20 ss:$0x1] =	vst.idx.msk $0xffff, v3  }
0xad: {  	s19 =	simm.s32 $0x200;
	s18 =	sadd.s32 $0x18C80, s23;
	v3 =	vld.idx.msk [tilespmem:v1+s17+$0x30 ss:$0x1], $0xffff  }
.LBB2_7:
0xae: {  	p1 =	sne.s32 s19, $0x9E00;
	v4 =	vld.idx.msk [tilespmem:v2+s17+$0x0 ss:$0x1], $0xffff;
	s21 =	smov.u32 s19;
	s19 =	sadd.s32 $0x200, s19  }
0xaf: {  	_ =	sdelay $0x4  }
0xb0: {  	v3 =	vmul.f32 v4, v3;
	_ =	sdelay $0x1  }
0xb1: {  	[tilespmem:v1+s17+$0x30 ss:$0x1] =	vst.idx.msk $0xffff, v3;
	s17 =	sshra.s32 s21, $0x2  }
0xb2: {  	v3 =	vld.idx.msk [tilespmem:v1+s17+$0xFFFFFFC0 ss:$0x1], $0xffff  }
0xb3: {  	v4 =	vld.idx.msk [tilespmem:v2+s17+$0xFFFFFF90 ss:$0x1], $0xffff;
	_ =	sdelay $0x5  }
0xb4: {  	v3 =	vmul.f32 v4, v3;
	_ =	sdelay $0x1  }
0xb5: {  	[tilespmem:v1+s17+$0xFFFFFFC0 ss:$0x1] =	vst.idx.msk $0xffff, v3  }
0xb6: {  	v3 =	vld.idx.msk [tilespmem:v1+s17+$0xFFFFFFD0 ss:$0x1], $0xffff  }
0xb7: {  	v4 =	vld.idx.msk [tilespmem:v2+s17+$0xFFFFFFA0 ss:$0x1], $0xffff;
	_ =	sdelay $0x5  }
0xb8: {  	v3 =	vmul.f32 v4, v3;
	_ =	sdelay $0x1  }
0xb9: {  	[tilespmem:v1+s17+$0xFFFFFFD0 ss:$0x1] =	vst.idx.msk $0xffff, v3  }
0xba: {  	v3 =	vld.idx.msk [tilespmem:v1+s17+$0xFFFFFFE0 ss:$0x1], $0xffff  }
0xbb: {  	v4 =	vld.idx.msk [tilespmem:v2+s17+$0xFFFFFFB0 ss:$0x1], $0xffff;
	_ =	sdelay $0x5  }
0xbc: {  	v3 =	vmul.f32 v4, v3;
	_ =	sdelay $0x1  }
0xbd: {  	[tilespmem:v1+s17+$0xFFFFFFE0 ss:$0x1] =	vst.idx.msk $0xffff, v3  }
0xbe: {  	v3 =	vld.idx.msk [tilespmem:v1+s17+$0xFFFFFFF0 ss:$0x1], $0xffff  }
0xbf: {  	v4 =	vld.idx.msk [tilespmem:v2+s17+$0xFFFFFFC0 ss:$0x1], $0xffff;
	_ =	sdelay $0x5  }
0xc0: {  	v3 =	vmul.f32 v4, v3;
	_ =	sdelay $0x1  }
0xc1: {  	[tilespmem:v1+s17+$0xFFFFFFF0 ss:$0x1] =	vst.idx.msk $0xffff, v3  }
0xc2: {  	v3 =	vld.idx.msk [tilespmem:v1+s17+$0x0 ss:$0x1], $0xffff  }
0xc3: {  	v4 =	vld.idx.msk [tilespmem:v2+s17+$0xFFFFFFD0 ss:$0x1], $0xffff;
	_ =	sdelay $0x5  }
0xc4: {  	v3 =	vmul.f32 v4, v3;
	_ =	sdelay $0x1  }
0xc5: {  	[tilespmem:v1+s17+$0x0 ss:$0x1] =	vst.idx.msk $0xffff, v3  }
0xc6: {  	v3 =	vld.idx.msk [tilespmem:v1+s17+$0x10 ss:$0x1], $0xffff  }
0xc7: {  	v4 =	vld.idx.msk [tilespmem:v2+s17+$0xFFFFFFE0 ss:$0x1], $0xffff;
	_ =	sdelay $0x5  }
0xc8: {  	v3 =	vmul.f32 v4, v3;
	_ =	sdelay $0x1  }
0xc9: {  	[tilespmem:v1+s17+$0x10 ss:$0x1] =	vst.idx.msk $0xffff, v3  }
0xca: {  	v3 =	vld.idx.msk [tilespmem:v1+s17+$0x20 ss:$0x1], $0xffff  }
0xcb: {  	v4 =	vld.idx.msk [tilespmem:v2+s17+$0xFFFFFFF0 ss:$0x1], $0xffff;
	_ =	sdelay $0x4  }
.Ltmp2:
0xcc: {  	(pc) =	sbr.rel @p1 .LBB2_7-.Ltmp2, $3  }
0xcd: {  	v3 =	vmul.f32 v4, v3;
	_ =	sdelay $0x1  }
0xce: {  	[tilespmem:v1+s17+$0x20 ss:$0x1] =	vst.idx.msk $0xffff, v3  }
0xcf: {  	v3 =	vld.idx.msk [tilespmem:v1+s17+$0x30 ss:$0x1], $0xffff  }
0xd0: {  	_ =	sdelay $0x3  }
0xd1: {  	v2 =	vld.idx.msk [tilespmem:v2+s17+$0x0 ss:$0x1], $0xffff;
	_ =	sdelay $0x3  }
0xd2: {  	p1 =	slt.u32 s16, $0x7D  }
.Ltmp3:
0xd3: {  	s14 =	sshll.u32 s14, $0x7;
	v2 =	vmul.f32 v2, v3;
	(pc) =	sbr.rel @p1 .LBB2_4-.Ltmp3, $4  }
0xd4: {  	s14 =	sand.u32 $0x180, s14  }
0xd5: {  	s15 =	sadd.s32 $0x9, s15;
	s14 =	sadd.s32 $0x13A80, s14;
	[tilespmem:v1+s17+$0x30 ss:$0x1] =	vst.idx.msk $0xffff, v2  }
0xd6: {  	[spmem:s4] =	stream.indirect.scatter.add.f32 [tilespmem:s18], [sflag:s15], $0x80, s14, s6, $0xb8;
	[tilespmem:$0x1DC80] =	vst v63  }
0xd7: {  	s14 =	smov.u32 s16  }
0xd8: {  	_ =	swait.ge [sflag:s13], $0x2800  }
0xd9: {  	[sflag:s13] =	ssyncset.done $0x0  }
0xda: {  	s14 =	stileid.u32;
	[sflag:s13] =	ssyncadd.s32 $0xFFFFD800  }
0xdb: {  	s14 =	sshll.u32 s14, $0x6;
	[bflag:$0x0] =	sbarrier.arrive $0xFFFF  }
0xdc: {  	s15 =	sshrl.u32 s9, $0x3;
	s14 =	sor.u32 $0x1C0B, s14;
	s16 =	rddreg [dreg:$0xe]  }
0xdd: {  	[hbm:s16], [sflag:s14] =	dma.local [spmem:s15], $0x2700  }
0xde: {  	_ =	swait.ge [sflag:s30], $0x2700  }
0xdf: {  	s5 =	sadd.s32 $0x1, s5;
	[sflag:s30] =	ssyncset.done $0x0  }
0xe0: {  	p1 =	sne.s32 s5, s25;
	s15 =	sshrl.u32 @!p0 s28, $0x3;
	[sflag:s30] =	ssyncadd.s32 $0xFFFFD900  }
0xe1: {  	[hbm:s24], [sflag:s14] =	dma.local @!p0 [spmem:s15], $0x100  }
.Ltmp4:
0xe2: {  	_ = 	snop;
	(pc) =	sbr.rel @p1 .LBB2_1-.Ltmp4, $4  }
0xe3: {  	s14 =	simm.s32 @!p0 $0xB  }
0xe4: {  	_ =	swait.ge @!p0 [sflag:s14], $0x100  }
0xe5: {  	[sflag:s14] =	ssyncset.done @!p0 $0x0  }
0xe6: {  	[sflag:s14] =	ssyncadd.s32 @!p0 $0xFFFFFF00  }
0xe7: {  	_ =	sfence.sel $0x180000  }
0xe8: {  	[bflag:$0x0] =	sbarrier.arrive $0xFFFF  }
0xe9: {  	_ =	strace $0x90000047  }
0xea: {  	[bflag:$0x2] =	sbarrier.arrive $0xFFFF  }
0xeb: {  	s0 =	rddreg [dreg:$0x5]  }
0xec: {  	s0 =	sadd.s32 @!p0 $0x100000, s0  }
0xed: {  	[sflag:s0] =	ssyncadd.tile.s32 @!p0 $0x1;
	_ =	shalt  }
.Lfunc_end2:
_tile_overlayer_lowered:
.L_overlay_start_2:
0xee: {  	(tag) =	ssettag $0x2  }
0xef: {  	s0 =	rddreg [dreg:$0x0];
	s2 =	stileid.u32  }
0xf0: {  	s1 =	rddreg [dreg:$0x1];
	p0 =	sne.s32 s2, $0x0  }
0xf1: {  	s3 =	rddreg [dreg:$0x2];
	[bflag:$0x3] =	sbarrier.arrive $0xFFFF;
	s2 =	simm.s32 @!p0 $0x1C0B  }
0xf2: {  	[timem:s3], [sflag:s2] =	dma.local @!p0 [hbm:s0], s1  }
0xf3: {  	s0 =	simm.s32 @!p0 $0xB  }
0xf4: {  	_ =	swait.ge @!p0 [sflag:s0], s1  }
0xf5: {  	s1 =	ssub.s32 @!p0 $0x0, s1;
	[sflag:s0] =	ssyncset.done @!p0 $0x0  }
0xf6: {  	[sflag:s0] =	ssyncadd.s32 @!p0 s1  }
0xf7: {  	[bflag:$0x3] =	sbarrier.arrive $0xFFFF  }
0xf8: {  	_ =	shalt  }

</sc_bundles>
